<compile_context>
chip_gen: v7x
topology: tpu7x:2x2x1
jax: 0.10.2.dev20260603
libtpu: 0.0.44.dev20260713+nightly
codegen_flags: <defaults>
</compile_context>

<pallas_src>
import functools

import jax
import jax.numpy as jnp
from jax import lax
from jax.experimental import pallas as pl
from jax.experimental.pallas import tpu as pltpu
from jax.experimental.pallas import tpu_sc as plsc

N_NODES_C = 100000
N_EDGES_C = 6400000
_EPS = 1.0
_SIG = 1.0
_CUT = 5.0
_HALF_SHIFT = 2.0 * _EPS * ((_SIG / _CUT) ** 12 - (_SIG / _CUT) ** 6)

NC = 2
NS = 16
NW = NC * NS
NHALF = 1
EDGES_H = N_EDGES_C // NHALF
EPW = EDGES_H // NW
CHUNK = 2000
NCHUNK = EPW // CHUNK
NPAIR = NCHUNK // 2
GROUPS = CHUNK // 16
UNROLL = 5

ACC = 100352


def _sc_body(phase, x_hbm, y_hbm, z_hbm, i_hbm, j_hbm, out_hbm,
             acc, x0, y0, z0, i0, j0, x1, y1, z1, i1, j1, sem0, sem1):
    cid = lax.axis_index("c")
    sid = lax.axis_index("s")
    wid = cid * NS + sid
    pbase = wid * EPW
    ebase = phase * EDGES_H + wid * EPW

    slots = ((x0, y0, z0, i0, j0, sem0), (x1, y1, z1, i1, j1, sem1))
    hbms = (x_hbm, y_hbm, z_hbm, i_hbm, j_hbm)

    def issue5(slot, k):
        for n, (hbm, buf) in enumerate(zip(hbms, slot[:5])):
            base = (pbase if n < 3 else ebase) + k * CHUNK
            pltpu.async_copy(hbm.at[pl.ds(base, CHUNK)], buf, slot[5])

    def wait5(slot):
        for hbm, buf in zip(hbms, slot[:5]):
            pltpu.make_async_copy(hbm.at[pl.ds(0, CHUNK)], buf, slot[5]).wait()

    issue5(slots[0], 0)

    zero16 = jnp.zeros((16,), jnp.float32)

    @plsc.parallel_loop(0, ACC // 64, 1, unroll=4)
    def _zero(t):
        for q in range(4):
            acc[pl.ds(t * 64 + q * 16, 16)] = zero16

    def compute(slot):
        xb, yb, zb, ib, jb = slot[:5]

        @plsc.parallel_loop(0, GROUPS, 1, unroll=UNROLL)
        def _group(g):
            o = g * 16
            dx = xb[pl.ds(o, 16)]
            dy = yb[pl.ds(o, 16)]
            dz = zb[pl.ds(o, 16)]
            r2 = dx * dx + dy * dy + dz * dz
            inv = 1.0 / r2
            s6 = inv * inv * inv
            he = 2.0 * _EPS * (s6 * s6 - s6) - _HALF_SHIFT
            iv = ib[pl.ds(o, 16)]
            jv = jb[pl.ds(o, 16)]
            plsc.addupdate_scatter(acc, [iv], he)
            plsc.addupdate_scatter(acc, [jv], he)

    def _pair(t, _):
        issue5(slots[1], 2 * t + 1)
        wait5(slots[0])
        compute(slots[0])

        @pl.when(t < NPAIR - 1)
        def _():
            issue5(slots[0], 2 * t + 2)

        wait5(slots[1])
        compute(slots[1])
        return 0

    lax.fori_loop(0, NPAIR, _pair, 0)

    pltpu.sync_copy(acc, out_hbm.at[wid])


def _sc_partials(phase, xs, ys, zs, all_i, all_j):
    mesh = plsc.VectorSubcoreMesh(core_axis_name="c", subcore_axis_name="s",
                                  num_cores=NC, num_subcores=NS)
    return pl.kernel(
        functools.partial(_sc_body, phase),
        out_type=jax.ShapeDtypeStruct((NW, ACC), jnp.float32),
        mesh=mesh,
        compiler_params=pltpu.CompilerParams(needs_layout_passes=False,
                                             use_tc_tiling_on_sc=False),
        scratch_types=[
            pltpu.VMEM((ACC,), jnp.float32),
            pltpu.VMEM((CHUNK,), jnp.float32),
            pltpu.VMEM((CHUNK,), jnp.float32),
            pltpu.VMEM((CHUNK,), jnp.float32),
            pltpu.VMEM((CHUNK,), jnp.int32),
            pltpu.VMEM((CHUNK,), jnp.int32),
            pltpu.VMEM((CHUNK,), jnp.float32),
            pltpu.VMEM((CHUNK,), jnp.float32),
            pltpu.VMEM((CHUNK,), jnp.float32),
            pltpu.VMEM((CHUNK,), jnp.int32),
            pltpu.VMEM((CHUNK,), jnp.int32),
            pltpu.SemaphoreType.DMA,
            pltpu.SemaphoreType.DMA,
        ],
    )(xs, ys, zs, all_i, all_j)


def _sum_body(*refs):
    *p_refs, b_ref, o_ref = refs
    s = b_ref[...]
    for p_ref in p_refs:
        s = s + jnp.sum(p_ref[...], axis=0)
    o_ref[...] = s


def _tc_sum(parts, bias):
    return pl.pallas_call(
        _sum_body,
        out_shape=jax.ShapeDtypeStruct((ACC,), jnp.float32),
    )(*parts, bias)


def kernel(distances, all_i, all_j, n_nodes):
    H = EDGES_H
    parts = []
    for ph in range(NHALF):
        xs = distances[ph * H:(ph + 1) * H, 0]
        ys = distances[ph * H:(ph + 1) * H, 1]
        zs = distances[ph * H:(ph + 1) * H, 2]
        parts.append(_sc_partials(ph, xs, ys, zs, all_i, all_j))
    bias = jnp.full((1,), 0.0, jnp.float32) + (
        jnp.asarray(n_nodes, jnp.float32) - float(N_NODES_C))
    summed = _tc_sum(parts, bias)
    return summed[:N_NODES_C].reshape(-1, 1)

# --- scband reference (transcript-rebuilt; emitter-appended) ---
"""Pipeline reference for scband-lennard-jones-pure-py-torch-43937515438568 (READ-ONLY COPY).

The authoritative reference and input builder live on the scoring server;
editing this copy changes nothing except your own understanding.
"""

import jax, jax.numpy as jnp
import numpy as np

N_NODES = 100000
N_EDGES = 6400000
EPSILON = 1.0
SIGMA = 1.0
CUTOFF = 5.0


def setup_inputs(seed: int = 0) -> dict:
    key = jax.random.key(seed)
    k1, k2, k3 = jax.random.split(key, 3)
    distances = jax.random.normal(k1, (N_EDGES, 3), dtype=jnp.float32)
    all_i = jax.random.randint(k2, (N_EDGES,), 0, N_NODES, dtype=jnp.int64 if jax.config.jax_enable_x64 else jnp.int32).astype(jnp.int32)
    all_j = jax.random.randint(k3, (N_EDGES,), 0, N_NODES, dtype=jnp.int64 if jax.config.jax_enable_x64 else jnp.int32).astype(jnp.int32)
    return {"distances": distances, "all_i": all_i, "all_j": all_j, "n_nodes": N_NODES}


def reference(distances, all_i, all_j, n_nodes):
    # Lennard-Jones pairwise energy with half-list double-counting split (alpha=0.5
    # index_add to both first_atom and second_atom), per-atom energies output.
    shift = 4.0 * EPSILON * ((SIGMA / CUTOFF) ** 12 - (SIGMA / CUTOFF) ** 6)
    r = jnp.linalg.norm(distances, axis=1)
    sigma_r_6 = (SIGMA / r) ** 6
    sigma_r_12 = sigma_r_6 * sigma_r_6
    e = 4.0 * EPSILON * (sigma_r_12 - sigma_r_6) - shift
    energy = jnp.zeros((N_NODES,), dtype=distances.dtype) + jnp.asarray(n_nodes - N_NODES, dtype=distances.dtype)
    energy = energy.at[all_i].add(0.5 * e)
    energy = energy.at[all_j].add(0.5 * e)
    # per_atom=True branch: energies reshaped to [-1, 1] as TensorBlock values
    return energy.reshape(-1, 1)

if __name__ == "__main__":
    import jax
    _d = setup_inputs()
    print(jax.jit(kernel)(*tuple(_d.values())))

</pallas_src>

<mosaic_0001>
#map = affine_map<(d0, d1) -> (0)>
#map1 = affine_map<(d0, d1) -> (0, 0)>
module attributes {stable_mosaic.version = 14 : i64} {
  func.func @_sc_body(%arg0: i32, %arg1: i32, %arg2: memref<6400000xf32, #tpu.memory_space<hbm>>, %arg3: memref<6400000xf32, #tpu.memory_space<hbm>>, %arg4: memref<6400000xf32, #tpu.memory_space<hbm>>, %arg5: memref<6400000xi32, #tpu.memory_space<hbm>>, %arg6: memref<6400000xi32, #tpu.memory_space<hbm>>, %arg7: memref<32x100352xf32, #tpu.memory_space<hbm>>, %arg8: memref<100352xf32, #tpu.memory_space<vmem>>, %arg9: memref<2000xf32, #tpu.memory_space<vmem>>, %arg10: memref<2000xf32, #tpu.memory_space<vmem>>, %arg11: memref<2000xf32, #tpu.memory_space<vmem>>, %arg12: memref<2000xi32, #tpu.memory_space<vmem>>, %arg13: memref<2000xi32, #tpu.memory_space<vmem>>, %arg14: memref<2000xf32, #tpu.memory_space<vmem>>, %arg15: memref<2000xf32, #tpu.memory_space<vmem>>, %arg16: memref<2000xf32, #tpu.memory_space<vmem>>, %arg17: memref<2000xi32, #tpu.memory_space<vmem>>, %arg18: memref<2000xi32, #tpu.memory_space<vmem>>, %arg19: memref<!tpu.dma_semaphore, #tpu.memory_space<semaphore_mem>>, %arg20: memref<!tpu.dma_semaphore, #tpu.memory_space<semaphore_mem>>) attributes {dimension_semantics = [#tpu.dimension_semantics<core_parallel>, #tpu.dimension_semantics<subcore_parallel>], iteration_bounds = array<i64: 2, 16>, scalar_prefetch = 0 : i64, scratch_operands = 13 : i64, tpu.core_type = #tpu.core_type<sc_vector_subcore>, window_params = [{transform_indices = #map}, {transform_indices = #map}, {transform_indices = #map}, {transform_indices = #map}, {transform_indices = #map}, {transform_indices = #map1}]} {
    %mul3A = arith.constant 16 : i32
    %mul3A_0 = arith.muli %arg0, %mul3A : i32
    %add3A = arith.addi %mul3A_0, %arg1 : i32
    %mul3A_1 = arith.constant 200000 : i32
    %mul3A_2 = arith.muli %add3A, %mul3A_1 : i32
    %mul3A_3 = arith.constant 200000 : i32
    %mul3A_4 = arith.muli %add3A, %mul3A_3 : i32
    %add3A_5 = arith.constant 0 : i32
    %add3A_6 = arith.addi %add3A_5, %mul3A_4 : i32
    %add3A_7 = arith.constant 0 : i32
    %add3A_8 = arith.addi %mul3A_2, %add3A_7 : i32
    %dma_start3A = tpu.memref_slice %arg2[%add3A_8] : memref<6400000xf32, #tpu.memory_space<hbm>> -> memref<2000xf32, #tpu.memory_space<hbm>>
    %dma_start3A_9 = tpu.memref_slice %arg2[%add3A_8] : memref<6400000xf32, #tpu.memory_space<hbm>> -> memref<2000xf32, #tpu.memory_space<hbm>>
    tpu.enqueue_dma source(%dma_start3A_9 : memref<2000xf32, #tpu.memory_space<hbm>>) target(%arg9 : memref<2000xf32, #tpu.memory_space<vmem>>) target_semaphore(%arg19 : memref<!tpu.dma_semaphore, #tpu.memory_space<semaphore_mem>>)
    %add3A_10 = arith.constant 0 : i32
    %add3A_11 = arith.addi %mul3A_2, %add3A_10 : i32
    %dma_start3A_12 = tpu.memref_slice %arg3[%add3A_11] : memref<6400000xf32, #tpu.memory_space<hbm>> -> memref<2000xf32, #tpu.memory_space<hbm>>
    %dma_start3A_13 = tpu.memref_slice %arg3[%add3A_11] : memref<6400000xf32, #tpu.memory_space<hbm>> -> memref<2000xf32, #tpu.memory_space<hbm>>
    tpu.enqueue_dma source(%dma_start3A_13 : memref<2000xf32, #tpu.memory_space<hbm>>) target(%arg10 : memref<2000xf32, #tpu.memory_space<vmem>>) target_semaphore(%arg19 : memref<!tpu.dma_semaphore, #tpu.memory_space<semaphore_mem>>)
    %add3A_14 = arith.constant 0 : i32
    %add3A_15 = arith.addi %mul3A_2, %add3A_14 : i32
    %dma_start3A_16 = tpu.memref_slice %arg4[%add3A_15] : memref<6400000xf32, #tpu.memory_space<hbm>> -> memref<2000xf32, #tpu.memory_space<hbm>>
    %dma_start3A_17 = tpu.memref_slice %arg4[%add3A_15] : memref<6400000xf32, #tpu.memory_space<hbm>> -> memref<2000xf32, #tpu.memory_space<hbm>>
    tpu.enqueue_dma source(%dma_start3A_17 : memref<2000xf32, #tpu.memory_space<hbm>>) target(%arg11 : memref<2000xf32, #tpu.memory_space<vmem>>) target_semaphore(%arg19 : memref<!tpu.dma_semaphore, #tpu.memory_space<semaphore_mem>>)
    %add3A_18 = arith.constant 0 : i32
    %add3A_19 = arith.addi %add3A_6, %add3A_18 : i32
    %dma_start3A_20 = tpu.memref_slice %arg5[%add3A_19] : memref<6400000xi32, #tpu.memory_space<hbm>> -> memref<2000xi32, #tpu.memory_space<hbm>>
    %dma_start3A_21 = tpu.memref_slice %arg5[%add3A_19] : memref<6400000xi32, #tpu.memory_space<hbm>> -> memref<2000xi32, #tpu.memory_space<hbm>>
    tpu.enqueue_dma source(%dma_start3A_21 : memref<2000xi32, #tpu.memory_space<hbm>>) target(%arg12 : memref<2000xi32, #tpu.memory_space<vmem>>) target_semaphore(%arg19 : memref<!tpu.dma_semaphore, #tpu.memory_space<semaphore_mem>>)
    %add3A_22 = arith.constant 0 : i32
    %add3A_23 = arith.addi %add3A_6, %add3A_22 : i32
    %dma_start3A_24 = tpu.memref_slice %arg6[%add3A_23] : memref<6400000xi32, #tpu.memory_space<hbm>> -> memref<2000xi32, #tpu.memory_space<hbm>>
    %dma_start3A_25 = tpu.memref_slice %arg6[%add3A_23] : memref<6400000xi32, #tpu.memory_space<hbm>> -> memref<2000xi32, #tpu.memory_space<hbm>>
    tpu.enqueue_dma source(%dma_start3A_25 : memref<2000xi32, #tpu.memory_space<hbm>>) target(%arg13 : memref<2000xi32, #tpu.memory_space<vmem>>) target_semaphore(%arg19 : memref<!tpu.dma_semaphore, #tpu.memory_space<semaphore_mem>>)
    %broadcast_in_dim3A = arith.constant 0.000000e+00 : f32
    %broadcast_in_dim3A_26 = vector.broadcast %broadcast_in_dim3A : f32 to vector<16xf32>
    %parallel_loop3A = arith.constant 0 : i32
    %parallel_loop3A_27 = arith.constant 1568 : i32
    %parallel_loop3A_28 = arith.constant 1 : i32
    scf.for %parallel_loop3A_35 = %parallel_loop3A to %parallel_loop3A_27 step %parallel_loop3A_28  : i32 {
      %parallel_loop3A_36 = arith.constant 64 : i32
      %parallel_loop3A_37 = arith.muli %parallel_loop3A_35, %parallel_loop3A_36 : i32
      %parallel_loop3A_38 = arith.constant 0 : i32
      %parallel_loop3A_39 = arith.addi %parallel_loop3A_37, %parallel_loop3A_38 : i32
      %parallel_loop3A_40 = arith.index_cast %parallel_loop3A_39 : i32 to index
      %parallel_loop3A_41 = tpu.vector_load %arg8[%parallel_loop3A_40] {strides = array<i32>} : memref<100352xf32, #tpu.memory_space<vmem>>, vector<16xf32>,
      tpu.vector_store %arg8[%parallel_loop3A_40], %broadcast_in_dim3A_26 {strides = array<i32>} : memref<100352xf32, #tpu.memory_space<vmem>>, vector<16xf32>,
      %parallel_loop3A_42 = arith.constant 64 : i32
      %parallel_loop3A_43 = arith.muli %parallel_loop3A_35, %parallel_loop3A_42 : i32
      %parallel_loop3A_44 = arith.constant 16 : i32
      %parallel_loop3A_45 = arith.addi %parallel_loop3A_43, %parallel_loop3A_44 : i32
      %parallel_loop3A_46 = arith.index_cast %parallel_loop3A_45 : i32 to index
      %parallel_loop3A_47 = tpu.vector_load %arg8[%parallel_loop3A_46] {strides = array<i32>} : memref<100352xf32, #tpu.memory_space<vmem>>, vector<16xf32>,
      tpu.vector_store %arg8[%parallel_loop3A_46], %broadcast_in_dim3A_26 {strides = array<i32>} : memref<100352xf32, #tpu.memory_space<vmem>>, vector<16xf32>,
      %parallel_loop3A_48 = arith.constant 64 : i32
      %parallel_loop3A_49 = arith.muli %parallel_loop3A_35, %parallel_loop3A_48 : i32
      %parallel_loop3A_50 = arith.constant 32 : i32
      %parallel_loop3A_51 = arith.addi %parallel_loop3A_49, %parallel_loop3A_50 : i32
      %parallel_loop3A_52 = arith.index_cast %parallel_loop3A_51 : i32 to index
      %parallel_loop3A_53 = tpu.vector_load %arg8[%parallel_loop3A_52] {strides = array<i32>} : memref<100352xf32, #tpu.memory_space<vmem>>, vector<16xf32>,
      tpu.vector_store %arg8[%parallel_loop3A_52], %broadcast_in_dim3A_26 {strides = array<i32>} : memref<100352xf32, #tpu.memory_space<vmem>>, vector<16xf32>,
      %parallel_loop3A_54 = arith.constant 64 : i32
      %parallel_loop3A_55 = arith.muli %parallel_loop3A_35, %parallel_loop3A_54 : i32
      %parallel_loop3A_56 = arith.constant 48 : i32
      %parallel_loop3A_57 = arith.addi %parallel_loop3A_55, %parallel_loop3A_56 : i32
      %parallel_loop3A_58 = arith.index_cast %parallel_loop3A_57 : i32 to index
      %parallel_loop3A_59 = tpu.vector_load %arg8[%parallel_loop3A_58] {strides = array<i32>} : memref<100352xf32, #tpu.memory_space<vmem>>, vector<16xf32>,
      tpu.vector_store %arg8[%parallel_loop3A_58], %broadcast_in_dim3A_26 {strides = array<i32>} : memref<100352xf32, #tpu.memory_space<vmem>>, vector<16xf32>,
    } {sc.loop_unroll_factor = 4 : i64, sc.parallel_access}
    %scan3A = arith.constant 0 : i32
    %scan3A_29 = arith.constant 0 : i32
    %scan3A_30 = arith.constant 50 : i32
    %scan3A_31 = arith.addi %scan3A_29, %scan3A_30 : i32
    %scan3A_32 = arith.constant 1 : i32
    %scan3A_33 = scf.for %scan3A_35 = %scan3A_29 to %scan3A_31 step %scan3A_32 iter_args(%scan3A_36 = %scan3A) -> (i32)  : i32 {
      %mul3A_37 = arith.constant 2 : i32
      %mul3A_38 = arith.muli %mul3A_37, %scan3A_35 : i32
      %add3A_39 = arith.constant 1 : i32
      %add3A_40 = arith.addi %mul3A_38, %add3A_39 : i32
      %mul3A_41 = arith.constant 2000 : i32
      %mul3A_42 = arith.muli %add3A_40, %mul3A_41 : i32
      %add3A_43 = arith.addi %mul3A_2, %mul3A_42 : i32
      %dma_start3A_44 = tpu.memref_slice %arg2[%add3A_43] : memref<6400000xf32, #tpu.memory_space<hbm>> -> memref<2000xf32, #tpu.memory_space<hbm>>
      %dma_start3A_45 = tpu.memref_slice %arg2[%add3A_43] : memref<6400000xf32, #tpu.memory_space<hbm>> -> memref<2000xf32, #tpu.memory_space<hbm>>
      tpu.enqueue_dma source(%dma_start3A_45 : memref<2000xf32, #tpu.memory_space<hbm>>) target(%arg14 : memref<2000xf32, #tpu.memory_space<vmem>>) target_semaphore(%arg20 : memref<!tpu.dma_semaphore, #tpu.memory_space<semaphore_mem>>)
      %mul3A_46 = arith.constant 2000 : i32
      %mul3A_47 = arith.muli %add3A_40, %mul3A_46 : i32
      %add3A_48 = arith.addi %mul3A_2, %mul3A_47 : i32
      %dma_start3A_49 = tpu.memref_slice %arg3[%add3A_48] : memref<6400000xf32, #tpu.memory_space<hbm>> -> memref<2000xf32, #tpu.memory_space<hbm>>
      %dma_start3A_50 = tpu.memref_slice %arg3[%add3A_48] : memref<6400000xf32, #tpu.memory_space<hbm>> -> memref<2000xf32, #tpu.memory_space<hbm>>
      tpu.enqueue_dma source(%dma_start3A_50 : memref<2000xf32, #tpu.memory_space<hbm>>) target(%arg15 : memref<2000xf32, #tpu.memory_space<vmem>>) target_semaphore(%arg20 : memref<!tpu.dma_semaphore, #tpu.memory_space<semaphore_mem>>)
      %mul3A_51 = arith.constant 2000 : i32
      %mul3A_52 = arith.muli %add3A_40, %mul3A_51 : i32
      %add3A_53 = arith.addi %mul3A_2, %mul3A_52 : i32
      %dma_start3A_54 = tpu.memref_slice %arg4[%add3A_53] : memref<6400000xf32, #tpu.memory_space<hbm>> -> memref<2000xf32, #tpu.memory_space<hbm>>
      %dma_start3A_55 = tpu.memref_slice %arg4[%add3A_53] : memref<6400000xf32, #tpu.memory_space<hbm>> -> memref<2000xf32, #tpu.memory_space<hbm>>
      tpu.enqueue_dma source(%dma_start3A_55 : memref<2000xf32, #tpu.memory_space<hbm>>) target(%arg16 : memref<2000xf32, #tpu.memory_space<vmem>>) target_semaphore(%arg20 : memref<!tpu.dma_semaphore, #tpu.memory_space<semaphore_mem>>)
      %mul3A_56 = arith.constant 2000 : i32
      %mul3A_57 = arith.muli %add3A_40, %mul3A_56 : i32
      %add3A_58 = arith.addi %add3A_6, %mul3A_57 : i32
      %dma_start3A_59 = tpu.memref_slice %arg5[%add3A_58] : memref<6400000xi32, #tpu.memory_space<hbm>> -> memref<2000xi32, #tpu.memory_space<hbm>>
      %dma_start3A_60 = tpu.memref_slice %arg5[%add3A_58] : memref<6400000xi32, #tpu.memory_space<hbm>> -> memref<2000xi32, #tpu.memory_space<hbm>>
      tpu.enqueue_dma source(%dma_start3A_60 : memref<2000xi32, #tpu.memory_space<hbm>>) target(%arg17 : memref<2000xi32, #tpu.memory_space<vmem>>) target_semaphore(%arg20 : memref<!tpu.dma_semaphore, #tpu.memory_space<semaphore_mem>>)
      %mul3A_61 = arith.constant 2000 : i32
      %mul3A_62 = arith.muli %add3A_40, %mul3A_61 : i32
      %add3A_63 = arith.addi %add3A_6, %mul3A_62 : i32
      %dma_start3A_64 = tpu.memref_slice %arg6[%add3A_63] : memref<6400000xi32, #tpu.memory_space<hbm>> -> memref<2000xi32, #tpu.memory_space<hbm>>
      %dma_start3A_65 = tpu.memref_slice %arg6[%add3A_63] : memref<6400000xi32, #tpu.memory_space<hbm>> -> memref<2000xi32, #tpu.memory_space<hbm>>
      tpu.enqueue_dma source(%dma_start3A_65 : memref<2000xi32, #tpu.memory_space<hbm>>) target(%arg18 : memref<2000xi32, #tpu.memory_space<vmem>>) target_semaphore(%arg20 : memref<!tpu.dma_semaphore, #tpu.memory_space<semaphore_mem>>)
      %dma_wait3A = arith.constant 0 : i32
      %dma_wait3A_66 = tpu.memref_slice %arg2[%dma_wait3A] : memref<6400000xf32, #tpu.memory_space<hbm>> -> memref<2000xf32, #tpu.memory_space<hbm>>
      %dma_wait3A_67 = arith.constant 0 : i32
      %dma_wait3A_68 = tpu.memref_slice %arg2[%dma_wait3A_67] : memref<6400000xf32, #tpu.memory_space<hbm>> -> memref<2000xf32, #tpu.memory_space<hbm>>
      tpu.wait_dma2 semaphore(%arg19 : memref<!tpu.dma_semaphore, #tpu.memory_space<semaphore_mem>>) src(%dma_wait3A_68 : memref<2000xf32, #tpu.memory_space<hbm>>) dst(%arg9 : memref<2000xf32, #tpu.memory_space<vmem>>)
      %dma_wait3A_69 = arith.constant 0 : i32
      %dma_wait3A_70 = tpu.memref_slice %arg3[%dma_wait3A_69] : memref<6400000xf32, #tpu.memory_space<hbm>> -> memref<2000xf32, #tpu.memory_space<hbm>>
      %dma_wait3A_71 = arith.constant 0 : i32
      %dma_wait3A_72 = tpu.memref_slice %arg3[%dma_wait3A_71] : memref<6400000xf32, #tpu.memory_space<hbm>> -> memref<2000xf32, #tpu.memory_space<hbm>>
      tpu.wait_dma2 semaphore(%arg19 : memref<!tpu.dma_semaphore, #tpu.memory_space<semaphore_mem>>) src(%dma_wait3A_72 : memref<2000xf32, #tpu.memory_space<hbm>>) dst(%arg10 : memref<2000xf32, #tpu.memory_space<vmem>>)
      %dma_wait3A_73 = arith.constant 0 : i32
      %dma_wait3A_74 = tpu.memref_slice %arg4[%dma_wait3A_73] : memref<6400000xf32, #tpu.memory_space<hbm>> -> memref<2000xf32, #tpu.memory_space<hbm>>
      %dma_wait3A_75 = arith.constant 0 : i32
      %dma_wait3A_76 = tpu.memref_slice %arg4[%dma_wait3A_75] : memref<6400000xf32, #tpu.memory_space<hbm>> -> memref<2000xf32, #tpu.memory_space<hbm>>
      tpu.wait_dma2 semaphore(%arg19 : memref<!tpu.dma_semaphore, #tpu.memory_space<semaphore_mem>>) src(%dma_wait3A_76 : memref<2000xf32, #tpu.memory_space<hbm>>) dst(%arg11 : memref<2000xf32, #tpu.memory_space<vmem>>)
      %dma_wait3A_77 = arith.constant 0 : i32
      %dma_wait3A_78 = tpu.memref_slice %arg5[%dma_wait3A_77] : memref<6400000xi32, #tpu.memory_space<hbm>> -> memref<2000xi32, #tpu.memory_space<hbm>>
      %dma_wait3A_79 = arith.constant 0 : i32
      %dma_wait3A_80 = tpu.memref_slice %arg5[%dma_wait3A_79] : memref<6400000xi32, #tpu.memory_space<hbm>> -> memref<2000xi32, #tpu.memory_space<hbm>>
      tpu.wait_dma2 semaphore(%arg19 : memref<!tpu.dma_semaphore, #tpu.memory_space<semaphore_mem>>) src(%dma_wait3A_80 : memref<2000xi32, #tpu.memory_space<hbm>>) dst(%arg12 : memref<2000xi32, #tpu.memory_space<vmem>>)
      %dma_wait3A_81 = arith.constant 0 : i32
      %dma_wait3A_82 = tpu.memref_slice %arg6[%dma_wait3A_81] : memref<6400000xi32, #tpu.memory_space<hbm>> -> memref<2000xi32, #tpu.memory_space<hbm>>
      %dma_wait3A_83 = arith.constant 0 : i32
      %dma_wait3A_84 = tpu.memref_slice %arg6[%dma_wait3A_83] : memref<6400000xi32, #tpu.memory_space<hbm>> -> memref<2000xi32, #tpu.memory_space<hbm>>
      tpu.wait_dma2 semaphore(%arg19 : memref<!tpu.dma_semaphore, #tpu.memory_space<semaphore_mem>>) src(%dma_wait3A_84 : memref<2000xi32, #tpu.memory_space<hbm>>) dst(%arg13 : memref<2000xi32, #tpu.memory_space<vmem>>)
      %parallel_loop3A_85 = arith.constant 0 : i32
      %parallel_loop3A_86 = arith.constant 125 : i32
      %parallel_loop3A_87 = arith.constant 1 : i32
      scf.for %parallel_loop3A_114 = %parallel_loop3A_85 to %parallel_loop3A_86 step %parallel_loop3A_87  : i32 {
        %parallel_loop3A_115 = arith.constant 16 : i32
        %parallel_loop3A_116 = arith.muli %parallel_loop3A_114, %parallel_loop3A_115 : i32
        %parallel_loop3A_117 = arith.index_cast %parallel_loop3A_116 : i32 to index
        %parallel_loop3A_118 = tpu.vector_load %arg9[%parallel_loop3A_117] {strides = array<i32>} : memref<2000xf32, #tpu.memory_space<vmem>>, vector<16xf32>,
        %parallel_loop3A_119 = arith.index_cast %parallel_loop3A_116 : i32 to index
        %parallel_loop3A_120 = tpu.vector_load %arg10[%parallel_loop3A_119] {strides = array<i32>} : memref<2000xf32, #tpu.memory_space<vmem>>, vector<16xf32>,
        %parallel_loop3A_121 = arith.index_cast %parallel_loop3A_116 : i32 to index
        %parallel_loop3A_122 = tpu.vector_load %arg11[%parallel_loop3A_121] {strides = array<i32>} : memref<2000xf32, #tpu.memory_space<vmem>>, vector<16xf32>,
        %parallel_loop3A_123 = arith.mulf %parallel_loop3A_118, %parallel_loop3A_118 : vector<16xf32>
        %parallel_loop3A_124 = arith.mulf %parallel_loop3A_120, %parallel_loop3A_120 : vector<16xf32>
        %parallel_loop3A_125 = arith.addf %parallel_loop3A_123, %parallel_loop3A_124 : vector<16xf32>
        %parallel_loop3A_126 = arith.mulf %parallel_loop3A_122, %parallel_loop3A_122 : vector<16xf32>
        %parallel_loop3A_127 = arith.addf %parallel_loop3A_125, %parallel_loop3A_126 : vector<16xf32>
        %parallel_loop3A_128 = arith.constant 1.000000e+00 : f32
        %parallel_loop3A_129 = vector.broadcast %parallel_loop3A_128 : f32 to vector<16xf32>
        %parallel_loop3A_130 = arith.divf %parallel_loop3A_129, %parallel_loop3A_127 : vector<16xf32>
        %parallel_loop3A_131 = arith.mulf %parallel_loop3A_130, %parallel_loop3A_130 : vector<16xf32>
        %parallel_loop3A_132 = arith.mulf %parallel_loop3A_131, %parallel_loop3A_130 : vector<16xf32>
        %parallel_loop3A_133 = arith.mulf %parallel_loop3A_132, %parallel_loop3A_132 : vector<16xf32>
        %parallel_loop3A_134 = arith.subf %parallel_loop3A_133, %parallel_loop3A_132 : vector<16xf32>
        %parallel_loop3A_135 = arith.constant 2.000000e+00 : f32
        %parallel_loop3A_136 = vector.broadcast %parallel_loop3A_135 : f32 to vector<16xf32>
        %parallel_loop3A_137 = arith.mulf %parallel_loop3A_136, %parallel_loop3A_134 : vector<16xf32>
        %parallel_loop3A_138 = arith.constant -1.27991807E-4 : f32
        %parallel_loop3A_139 = vector.broadcast %parallel_loop3A_138 : f32 to vector<16xf32>
        %parallel_loop3A_140 = arith.subf %parallel_loop3A_137, %parallel_loop3A_139 : vector<16xf32>
        %parallel_loop3A_141 = arith.index_cast %parallel_loop3A_116 : i32 to index
        %parallel_loop3A_142 = tpu.vector_load %arg12[%parallel_loop3A_141] {strides = array<i32>} : memref<2000xi32, #tpu.memory_space<vmem>>, vector<16xi32>,
        %parallel_loop3A_143 = arith.index_cast %parallel_loop3A_116 : i32 to index
        %parallel_loop3A_144 = tpu.vector_load %arg13[%parallel_loop3A_143] {strides = array<i32>} : memref<2000xi32, #tpu.memory_space<vmem>>, vector<16xi32>,
        tpu.vector_store_idx %arg8[%parallel_loop3A_142], %parallel_loop3A_140 {add = true} : memref<100352xf32, #tpu.memory_space<vmem>>[vector<16xi32>], vector<16xf32>,
        tpu.vector_store_idx %arg8[%parallel_loop3A_144], %parallel_loop3A_140 {add = true} : memref<100352xf32, #tpu.memory_space<vmem>>[vector<16xi32>], vector<16xf32>,
      } {sc.loop_unroll_factor = 5 : i64, sc.parallel_access}
      %lt3A = arith.constant 49 : i32
      %lt3A_88 = arith.cmpi slt, %scan3A_35, %lt3A : i32
      %convert_element_type3A = arith.extui %lt3A_88 : i1 to i32
      %cond3A = arith.constant 0 : i32
      %cond3A_89 = arith.cmpi ne, %convert_element_type3A, %cond3A : i32
      scf.if %cond3A_89 {
        %mul3A_114 = arith.constant 2 : i32
        %mul3A_115 = arith.muli %mul3A_114, %scan3A_35 : i32
        %add3A_116 = arith.constant 2 : i32
        %add3A_117 = arith.addi %mul3A_115, %add3A_116 : i32
        %mul3A_118 = arith.constant 2000 : i32
        %mul3A_119 = arith.muli %add3A_117, %mul3A_118 : i32
        %add3A_120 = arith.addi %mul3A_2, %mul3A_119 : i32
        %dma_start3A_121 = tpu.memref_slice %arg2[%add3A_120] : memref<6400000xf32, #tpu.memory_space<hbm>> -> memref<2000xf32, #tpu.memory_space<hbm>>
        %dma_start3A_122 = tpu.memref_slice %arg2[%add3A_120] : memref<6400000xf32, #tpu.memory_space<hbm>> -> memref<2000xf32, #tpu.memory_space<hbm>>
        tpu.enqueue_dma source(%dma_start3A_122 : memref<2000xf32, #tpu.memory_space<hbm>>) target(%arg9 : memref<2000xf32, #tpu.memory_space<vmem>>) target_semaphore(%arg19 : memref<!tpu.dma_semaphore, #tpu.memory_space<semaphore_mem>>)
        %mul3A_123 = arith.constant 2000 : i32
        %mul3A_124 = arith.muli %add3A_117, %mul3A_123 : i32
        %add3A_125 = arith.addi %mul3A_2, %mul3A_124 : i32
        %dma_start3A_126 = tpu.memref_slice %arg3[%add3A_125] : memref<6400000xf32, #tpu.memory_space<hbm>> -> memref<2000xf32, #tpu.memory_space<hbm>>
        %dma_start3A_127 = tpu.memref_slice %arg3[%add3A_125] : memref<6400000xf32, #tpu.memory_space<hbm>> -> memref<2000xf32, #tpu.memory_space<hbm>>
        tpu.enqueue_dma source(%dma_start3A_127 : memref<2000xf32, #tpu.memory_space<hbm>>) target(%arg10 : memref<2000xf32, #tpu.memory_space<vmem>>) target_semaphore(%arg19 : memref<!tpu.dma_semaphore, #tpu.memory_space<semaphore_mem>>)
        %mul3A_128 = arith.constant 2000 : i32
        %mul3A_129 = arith.muli %add3A_117, %mul3A_128 : i32
        %add3A_130 = arith.addi %mul3A_2, %mul3A_129 : i32
        %dma_start3A_131 = tpu.memref_slice %arg4[%add3A_130] : memref<6400000xf32, #tpu.memory_space<hbm>> -> memref<2000xf32, #tpu.memory_space<hbm>>
        %dma_start3A_132 = tpu.memref_slice %arg4[%add3A_130] : memref<6400000xf32, #tpu.memory_space<hbm>> -> memref<2000xf32, #tpu.memory_space<hbm>>
        tpu.enqueue_dma source(%dma_start3A_132 : memref<2000xf32, #tpu.memory_space<hbm>>) target(%arg11 : memref<2000xf32, #tpu.memory_space<vmem>>) target_semaphore(%arg19 : memref<!tpu.dma_semaphore, #tpu.memory_space<semaphore_mem>>)
        %mul3A_133 = arith.constant 2000 : i32
        %mul3A_134 = arith.muli %add3A_117, %mul3A_133 : i32
        %add3A_135 = arith.addi %add3A_6, %mul3A_134 : i32
        %dma_start3A_136 = tpu.memref_slice %arg5[%add3A_135] : memref<6400000xi32, #tpu.memory_space<hbm>> -> memref<2000xi32, #tpu.memory_space<hbm>>
        %dma_start3A_137 = tpu.memref_slice %arg5[%add3A_135] : memref<6400000xi32, #tpu.memory_space<hbm>> -> memref<2000xi32, #tpu.memory_space<hbm>>
        tpu.enqueue_dma source(%dma_start3A_137 : memref<2000xi32, #tpu.memory_space<hbm>>) target(%arg12 : memref<2000xi32, #tpu.memory_space<vmem>>) target_semaphore(%arg19 : memref<!tpu.dma_semaphore, #tpu.memory_space<semaphore_mem>>)
        %mul3A_138 = arith.constant 2000 : i32
        %mul3A_139 = arith.muli %add3A_117, %mul3A_138 : i32
        %add3A_140 = arith.addi %add3A_6, %mul3A_139 : i32
        %dma_start3A_141 = tpu.memref_slice %arg6[%add3A_140] : memref<6400000xi32, #tpu.memory_space<hbm>> -> memref<2000xi32, #tpu.memory_space<hbm>>
        %dma_start3A_142 = tpu.memref_slice %arg6[%add3A_140] : memref<6400000xi32, #tpu.memory_space<hbm>> -> memref<2000xi32, #tpu.memory_space<hbm>>
        tpu.enqueue_dma source(%dma_start3A_142 : memref<2000xi32, #tpu.memory_space<hbm>>) target(%arg13 : memref<2000xi32, #tpu.memory_space<vmem>>) target_semaphore(%arg19 : memref<!tpu.dma_semaphore, #tpu.memory_space<semaphore_mem>>)
      } else {
      }
      %dma_wait3A_90 = arith.constant 0 : i32
      %dma_wait3A_91 = tpu.memref_slice %arg2[%dma_wait3A_90] : memref<6400000xf32, #tpu.memory_space<hbm>> -> memref<2000xf32, #tpu.memory_space<hbm>>
      %dma_wait3A_92 = arith.constant 0 : i32
      %dma_wait3A_93 = tpu.memref_slice %arg2[%dma_wait3A_92] : memref<6400000xf32, #tpu.memory_space<hbm>> -> memref<2000xf32, #tpu.memory_space<hbm>>
      tpu.wait_dma2 semaphore(%arg20 : memref<!tpu.dma_semaphore, #tpu.memory_space<semaphore_mem>>) src(%dma_wait3A_93 : memref<2000xf32, #tpu.memory_space<hbm>>) dst(%arg14 : memref<2000xf32, #tpu.memory_space<vmem>>)
      %dma_wait3A_94 = arith.constant 0 : i32
      %dma_wait3A_95 = tpu.memref_slice %arg3[%dma_wait3A_94] : memref<6400000xf32, #tpu.memory_space<hbm>> -> memref<2000xf32, #tpu.memory_space<hbm>>
      %dma_wait3A_96 = arith.constant 0 : i32
      %dma_wait3A_97 = tpu.memref_slice %arg3[%dma_wait3A_96] : memref<6400000xf32, #tpu.memory_space<hbm>> -> memref<2000xf32, #tpu.memory_space<hbm>>
      tpu.wait_dma2 semaphore(%arg20 : memref<!tpu.dma_semaphore, #tpu.memory_space<semaphore_mem>>) src(%dma_wait3A_97 : memref<2000xf32, #tpu.memory_space<hbm>>) dst(%arg15 : memref<2000xf32, #tpu.memory_space<vmem>>)
      %dma_wait3A_98 = arith.constant 0 : i32
      %dma_wait3A_99 = tpu.memref_slice %arg4[%dma_wait3A_98] : memref<6400000xf32, #tpu.memory_space<hbm>> -> memref<2000xf32, #tpu.memory_space<hbm>>
      %dma_wait3A_100 = arith.constant 0 : i32
      %dma_wait3A_101 = tpu.memref_slice %arg4[%dma_wait3A_100] : memref<6400000xf32, #tpu.memory_space<hbm>> -> memref<2000xf32, #tpu.memory_space<hbm>>
      tpu.wait_dma2 semaphore(%arg20 : memref<!tpu.dma_semaphore, #tpu.memory_space<semaphore_mem>>) src(%dma_wait3A_101 : memref<2000xf32, #tpu.memory_space<hbm>>) dst(%arg16 : memref<2000xf32, #tpu.memory_space<vmem>>)
      %dma_wait3A_102 = arith.constant 0 : i32
      %dma_wait3A_103 = tpu.memref_slice %arg5[%dma_wait3A_102] : memref<6400000xi32, #tpu.memory_space<hbm>> -> memref<2000xi32, #tpu.memory_space<hbm>>
      %dma_wait3A_104 = arith.constant 0 : i32
      %dma_wait3A_105 = tpu.memref_slice %arg5[%dma_wait3A_104] : memref<6400000xi32, #tpu.memory_space<hbm>> -> memref<2000xi32, #tpu.memory_space<hbm>>
      tpu.wait_dma2 semaphore(%arg20 : memref<!tpu.dma_semaphore, #tpu.memory_space<semaphore_mem>>) src(%dma_wait3A_105 : memref<2000xi32, #tpu.memory_space<hbm>>) dst(%arg17 : memref<2000xi32, #tpu.memory_space<vmem>>)
      %dma_wait3A_106 = arith.constant 0 : i32
      %dma_wait3A_107 = tpu.memref_slice %arg6[%dma_wait3A_106] : memref<6400000xi32, #tpu.memory_space<hbm>> -> memref<2000xi32, #tpu.memory_space<hbm>>
      %dma_wait3A_108 = arith.constant 0 : i32
      %dma_wait3A_109 = tpu.memref_slice %arg6[%dma_wait3A_108] : memref<6400000xi32, #tpu.memory_space<hbm>> -> memref<2000xi32, #tpu.memory_space<hbm>>
      tpu.wait_dma2 semaphore(%arg20 : memref<!tpu.dma_semaphore, #tpu.memory_space<semaphore_mem>>) src(%dma_wait3A_109 : memref<2000xi32, #tpu.memory_space<hbm>>) dst(%arg18 : memref<2000xi32, #tpu.memory_space<vmem>>)
      %parallel_loop3A_110 = arith.constant 0 : i32
      %parallel_loop3A_111 = arith.constant 125 : i32
      %parallel_loop3A_112 = arith.constant 1 : i32
      scf.for %parallel_loop3A_114 = %parallel_loop3A_110 to %parallel_loop3A_111 step %parallel_loop3A_112  : i32 {
        %parallel_loop3A_115 = arith.constant 16 : i32
        %parallel_loop3A_116 = arith.muli %parallel_loop3A_114, %parallel_loop3A_115 : i32
        %parallel_loop3A_117 = arith.index_cast %parallel_loop3A_116 : i32 to index
        %parallel_loop3A_118 = tpu.vector_load %arg14[%parallel_loop3A_117] {strides = array<i32>} : memref<2000xf32, #tpu.memory_space<vmem>>, vector<16xf32>,
        %parallel_loop3A_119 = arith.index_cast %parallel_loop3A_116 : i32 to index
        %parallel_loop3A_120 = tpu.vector_load %arg15[%parallel_loop3A_119] {strides = array<i32>} : memref<2000xf32, #tpu.memory_space<vmem>>, vector<16xf32>,
        %parallel_loop3A_121 = arith.index_cast %parallel_loop3A_116 : i32 to index
        %parallel_loop3A_122 = tpu.vector_load %arg16[%parallel_loop3A_121] {strides = array<i32>} : memref<2000xf32, #tpu.memory_space<vmem>>, vector<16xf32>,
        %parallel_loop3A_123 = arith.mulf %parallel_loop3A_118, %parallel_loop3A_118 : vector<16xf32>
        %parallel_loop3A_124 = arith.mulf %parallel_loop3A_120, %parallel_loop3A_120 : vector<16xf32>
        %parallel_loop3A_125 = arith.addf %parallel_loop3A_123, %parallel_loop3A_124 : vector<16xf32>
        %parallel_loop3A_126 = arith.mulf %parallel_loop3A_122, %parallel_loop3A_122 : vector<16xf32>
        %parallel_loop3A_127 = arith.addf %parallel_loop3A_125, %parallel_loop3A_126 : vector<16xf32>
        %parallel_loop3A_128 = arith.constant 1.000000e+00 : f32
        %parallel_loop3A_129 = vector.broadcast %parallel_loop3A_128 : f32 to vector<16xf32>
        %parallel_loop3A_130 = arith.divf %parallel_loop3A_129, %parallel_loop3A_127 : vector<16xf32>
        %parallel_loop3A_131 = arith.mulf %parallel_loop3A_130, %parallel_loop3A_130 : vector<16xf32>
        %parallel_loop3A_132 = arith.mulf %parallel_loop3A_131, %parallel_loop3A_130 : vector<16xf32>
        %parallel_loop3A_133 = arith.mulf %parallel_loop3A_132, %parallel_loop3A_132 : vector<16xf32>
        %parallel_loop3A_134 = arith.subf %parallel_loop3A_133, %parallel_loop3A_132 : vector<16xf32>
        %parallel_loop3A_135 = arith.constant 2.000000e+00 : f32
        %parallel_loop3A_136 = vector.broadcast %parallel_loop3A_135 : f32 to vector<16xf32>
        %parallel_loop3A_137 = arith.mulf %parallel_loop3A_136, %parallel_loop3A_134 : vector<16xf32>
        %parallel_loop3A_138 = arith.constant -1.27991807E-4 : f32
        %parallel_loop3A_139 = vector.broadcast %parallel_loop3A_138 : f32 to vector<16xf32>
        %parallel_loop3A_140 = arith.subf %parallel_loop3A_137, %parallel_loop3A_139 : vector<16xf32>
        %parallel_loop3A_141 = arith.index_cast %parallel_loop3A_116 : i32 to index
        %parallel_loop3A_142 = tpu.vector_load %arg17[%parallel_loop3A_141] {strides = array<i32>} : memref<2000xi32, #tpu.memory_space<vmem>>, vector<16xi32>,
        %parallel_loop3A_143 = arith.index_cast %parallel_loop3A_116 : i32 to index
        %parallel_loop3A_144 = tpu.vector_load %arg18[%parallel_loop3A_143] {strides = array<i32>} : memref<2000xi32, #tpu.memory_space<vmem>>, vector<16xi32>,
        tpu.vector_store_idx %arg8[%parallel_loop3A_142], %parallel_loop3A_140 {add = true} : memref<100352xf32, #tpu.memory_space<vmem>>[vector<16xi32>], vector<16xf32>,
        tpu.vector_store_idx %arg8[%parallel_loop3A_144], %parallel_loop3A_140 {add = true} : memref<100352xf32, #tpu.memory_space<vmem>>[vector<16xi32>], vector<16xf32>,
      } {sc.loop_unroll_factor = 5 : i64, sc.parallel_access}
      %scan3A_113 = arith.constant 0 : i32
      scf.yield %scan3A_113 : i32
    }
    %scan3A_34 = arith.constant 50 : i32
    "tpu.region"() ({
      %run_scoped3A = tpu.sem_alloc : memref<!tpu.dma_semaphore, #tpu.memory_space<semaphore_mem>>
      %dma_start3A_35 = arith.constant 0 : i32
      %dma_start3A_36 = tpu.memref_slice %arg7[%add3A, %dma_start3A_35] : memref<32x100352xf32, #tpu.memory_space<hbm>> -> memref<1x100352xf32, #tpu.memory_space<hbm>>
      %dma_start3A_37 = tpu.memref_squeeze %dma_start3A_36 : memref<1x100352xf32, #tpu.memory_space<hbm>> -> memref<100352xf32, #tpu.memory_space<hbm>>
      %dma_start3A_38 = arith.constant 0 : i32
      %dma_start3A_39 = tpu.memref_slice %arg7[%add3A, %dma_start3A_38] : memref<32x100352xf32, #tpu.memory_space<hbm>> -> memref<1x100352xf32, #tpu.memory_space<hbm>>
      %dma_start3A_40 = tpu.memref_squeeze %dma_start3A_39 : memref<1x100352xf32, #tpu.memory_space<hbm>> -> memref<100352xf32, #tpu.memory_space<hbm>>
      tpu.enqueue_dma source(%arg8 : memref<100352xf32, #tpu.memory_space<vmem>>) target(%dma_start3A_40 : memref<100352xf32, #tpu.memory_space<hbm>>) target_semaphore(%run_scoped3A : memref<!tpu.dma_semaphore, #tpu.memory_space<semaphore_mem>>)
      %dma_wait3A = arith.constant 0 : i32
      %dma_wait3A_41 = tpu.memref_slice %arg7[%add3A, %dma_wait3A] : memref<32x100352xf32, #tpu.memory_space<hbm>> -> memref<1x100352xf32, #tpu.memory_space<hbm>>
      %dma_wait3A_42 = tpu.memref_squeeze %dma_wait3A_41 : memref<1x100352xf32, #tpu.memory_space<hbm>> -> memref<100352xf32, #tpu.memory_space<hbm>>
      %dma_wait3A_43 = arith.constant 0 : i32
      %dma_wait3A_44 = tpu.memref_slice %arg7[%add3A, %dma_wait3A_43] : memref<32x100352xf32, #tpu.memory_space<hbm>> -> memref<1x100352xf32, #tpu.memory_space<hbm>>
      %dma_wait3A_45 = tpu.memref_squeeze %dma_wait3A_44 : memref<1x100352xf32, #tpu.memory_space<hbm>> -> memref<100352xf32, #tpu.memory_space<hbm>>
      tpu.wait_dma2 semaphore(%run_scoped3A : memref<!tpu.dma_semaphore, #tpu.memory_space<semaphore_mem>>) src(%arg8 : memref<100352xf32, #tpu.memory_space<vmem>>) dst(%dma_wait3A_45 : memref<100352xf32, #tpu.memory_space<hbm>>)
      tpu.yield
    }) : () -> ()
    return
  }
}

module attributes {stable_mosaic.version = 14 : i64} {
  func.func @_sum_body(%arg0: memref<32x100352xf32, #tpu.memory_space<vmem>>, %arg1: memref<1xf32, #tpu.memory_space<vmem>>, %arg2: memref<100352xf32, #tpu.memory_space<vmem>>) attributes {dimension_semantics = [], scalar_prefetch = 0 : i64, scratch_operands = 0 : i64, tpu.core_type = #tpu.core_type<tc>} {
    %get3A = arith.constant 0 : index
    %get3A_0 = vector.load %arg1[%get3A] : memref<1xf32, #tpu.memory_space<vmem>>, vector<1xf32>
    %get3A_1 = arith.constant 0 : index
    %get3A_2 = arith.constant 0 : index
    %get3A_3 = vector.load %arg0[%get3A_1, %get3A_2] : memref<32x100352xf32, #tpu.memory_space<vmem>>, vector<32x100352xf32>
    %reduce_sum3A = arith.constant dense<0.000000e+00> : vector<100352xf32>
    %reduce_sum3A_4 = vector.multi_reduction <add>, %get3A_3, %reduce_sum3A [0] : vector<32x100352xf32> to vector<100352xf32>
    %add3A = vector.broadcast %get3A_0 : vector<1xf32> to vector<100352xf32>
    %add3A_5 = arith.addf %add3A, %reduce_sum3A_4 : vector<100352xf32>
    %swap3A = arith.constant 0 : index
    %swap3A_6 = vector.load %arg2[%swap3A] : memref<100352xf32, #tpu.memory_space<vmem>>, vector<100352xf32>
    tpu.vector_store %arg2[%swap3A], %add3A_5 {strides = array<i32>} : memref<100352xf32, #tpu.memory_space<vmem>>, vector<100352xf32>,
    return
  }
}

</mosaic_0001>

<sc_bundles>
// kernel: kernel.4.cloned.1.call-start
scs
__scs_entry_jumppad:
0x0: {  	(pc) =	sbr.rel $0x88, $3  }
0x1: {  	(tag) =	ssettag $0x0;
	lr =	simm.s32 $0x1  }
0x2: {  	[smem:$0x3F9D] =	sst lr;
	_ =	strace $0xD0000000  }
0x3: {  	_ = 	snop  }
0x4: {  	_ = 	snop  }
0x5: {  	_ = 	snop  }
0x6: {  	_ = 	snop  }
0x7: {  	_ = 	snop  }
__scs_overlays_trampoline_lowered:
0x8: {  	[smem:$0x3FAC] =	sst s0  }
0x9: {  	[smem:$0x3FAD] =	sst s1  }
0xa: {  	[smem:$0x3FAE] =	sst s2  }
0xb: {  	[smem:$0x3FAF] =	sst s3  }
0xc: {  	[smem:$0x3FB0] =	sst s4  }
0xd: {  	[smem:$0x3FB1] =	sst s5  }
0xe: {  	[smem:$0x3FB2] =	sst s6  }
0xf: {  	[smem:$0x3FB3] =	sst s7  }
0x10: {  	[smem:$0x3FB4] =	sst s8  }
0x11: {  	[smem:$0x3FB5] =	sst s9;
	s0 =	simm.s32 @!p0 $0x0  }
0x12: {  	s1 =	sld [smem:$0x3F9B];
	s0 =	simm.s32 @p0 $0x1  }
0x13: {  	[smem:$0x3FB6] =	sst s0;
	s0 =	simm.s32 @!p1 $0x0  }
0x14: {  	s2 =	sld [smem:$0x3F9A];
	s0 =	simm.s32 @p1 $0x1  }
0x15: {  	[smem:$0x3FB7] =	sst s0;
	s0 =	simm.s32 @!p2 $0x0  }
0x16: {  	s3 =	sld [smem:$0x3FDB];
	s0 =	simm.s32 @p2 $0x1  }
0x17: {  	s4 =	simm.s32 $0x1BF5;
	[smem:$0x3FB9] =	sst s0  }
0x18: {  	s0 =	sld [smem:$0x3F9C];
	_ =	swait.ge [sflag:s4], $0x0  }
0x19: {  	s7 =	sld [smem:$0x3F9D]  }
0x1a: {  	s8 =	sadd.s32 $0xFFFFE003, lr  }
0x1b: {  	s9 =	sadd.s32 $0xFFFFFEF7, lr;
	s5 =	simm.s32 $0xFFFFFFFF;
	p2 =	slt.u32 s8, $0xFFFFF086  }
0x1c: {  	p1 =	slt.u32 s9, $0xF7A;
	s5 =	simm.s32 @!p2 $0x0  }
0x1d: {  	s5 =	simm.s32 @p1 $0x1;
	p0 =	seq.s32 s7, s2  }
0x1e: {  	s7 =	smul.u32 @!p0 $0xF7A, s2;
	p2 =	seq.s32 @!p0 s5, $0x0  }
0x1f: {  	s9 =	smul.u32 $0xF7A, s1;
	s8 =	simm.s32 @!p0 $0x1BF5;
	p2 =	por !p2, p0  }
0x20: {  	[sflag:s8] =	ssyncset.s32 @!p0 $0xFFFFF086;
	s6 =	sadd.s32 @!p0 s3, s7;
	s7 =	simm.s32 @!p0 $0x108  }
0x21: {  	s3 =	sadd.s32 s3, s9;
	s6 =	sadd.s32 @!p0 $0x88, s6;
	s7 =	simm.s32 @p2 $0x1082  }
0x22: {  	[simem:s7], [sflag:s8] =	dma.local @!p0 [hbm:s6], $0xF7A  }
0x23: {  	s9 =	sor.u32 $0xD0000000, s2;
	s6 =	simm.s32 $0x108;
	_ =	swait.ge @!p0 [sflag:s8], $0x0  }
0x24: {  	s3 =	sadd.s32 $0x88, s3;
	s6 =	simm.s32 @!p1 $0x1082;
	[sflag:s4] =	ssyncset.s32 $0xFFFFF086  }
0x25: {  	[simem:s6], [sflag:s4] =	dma.local [hbm:s3], $0xF7A  }
0x26: {  	[smem:$0x3F9D] =	sst s1;
	(tag) =	ssettag s2;
	_ =	strace s9  }
0x27: {  	s1 =	sld [smem:$0x3FAD]  }
0x28: {  	s2 =	sld [smem:$0x3FAE]  }
0x29: {  	s4 =	sld [smem:$0x3FB0]  }
0x2a: {  	p0 =	seq.s32 s5, $0x0;
	s5 =	sld [smem:$0x3FB1]  }
0x2b: {  	s6 =	sld [smem:$0x3FB2]  }
0x2c: {  	s7 =	sld [smem:$0x3FB3]  }
0x2d: {  	s3 =	simm.s32 $0x108;
	s8 =	sld [smem:$0x3FB4]  }
0x2e: {  	s3 =	simm.s32 @!p0 $0x1082;
	s9 =	sld [smem:$0x3FB5]  }
0x2f: {  	lr =	sadd.s32 s0, s3;
	s0 =	sld [smem:$0x3FAC]  }
0x30: {  	s3 =	sld [smem:$0x3FAF]  }
0x31: {  	[smem:$0x3FB8] =	sst s10  }
0x32: {  	s10 =	sld [smem:$0x3FB6];
	_ =	sdelay $0x3  }
0x33: {  	p0 =	seq.s32 s10, $0x1;
	s10 =	sld [smem:$0x3FB8];
	_ =	sdelay $0x3  }
0x34: {  	[smem:$0x3FB8] =	sst s10  }
0x35: {  	s10 =	sld [smem:$0x3FB7];
	_ =	sdelay $0x3  }
0x36: {  	p1 =	seq.s32 s10, $0x1;
	s10 =	sld [smem:$0x3FB8];
	_ =	sdelay $0x3  }
0x37: {  	[smem:$0x3FB8] =	sst s10  }
0x38: {  	s10 =	sld [smem:$0x3FB9]  }
0x39: {  	_ = 	snop;
	(pc) =	sbr.ind lr, $3  }
0x3a: {  	_ = 	snop  }
0x3b: {  	_ = 	snop  }
0x3c: {  	p2 =	seq.s32 s10, $0x1;
	s10 =	sld [smem:$0x3FB8]  }
0x3d: {  	_ =	shalt  }
0x3e: {  	_ =	shalt  }
0x3f: {  	_ =	shalt  }
0x40: {  	_ =	shalt  }
0x41: {  	_ =	shalt  }
0x42: {  	_ =	shalt  }
0x43: {  	_ =	shalt  }
0x44: {  	_ =	shalt  }
0x45: {  	_ =	shalt  }
0x46: {  	_ =	shalt  }
0x47: {  	_ =	shalt  }
0x48: {  	_ =	shalt  }
0x49: {  	_ =	shalt  }
0x4a: {  	_ =	shalt  }
0x4b: {  	_ =	shalt  }
0x4c: {  	_ =	shalt  }
0x4d: {  	_ =	shalt  }
0x4e: {  	_ =	shalt  }
0x4f: {  	_ =	shalt  }
0x50: {  	_ =	shalt  }
0x51: {  	_ =	shalt  }
0x52: {  	_ =	shalt  }
0x53: {  	_ =	shalt  }
0x54: {  	_ =	shalt  }
0x55: {  	_ =	shalt  }
0x56: {  	_ =	shalt  }
0x57: {  	_ =	shalt  }
0x58: {  	_ =	shalt  }
0x59: {  	_ =	shalt  }
0x5a: {  	_ =	shalt  }
0x5b: {  	_ =	shalt  }
0x5c: {  	_ =	shalt  }
0x5d: {  	_ =	shalt  }
0x5e: {  	_ =	shalt  }
0x5f: {  	_ =	shalt  }
0x60: {  	_ =	shalt  }
0x61: {  	_ =	shalt  }
0x62: {  	_ =	shalt  }
0x63: {  	_ =	shalt  }
0x64: {  	_ =	shalt  }
0x65: {  	_ =	shalt  }
0x66: {  	_ =	shalt  }
0x67: {  	_ =	shalt  }
0x68: {  	_ =	shalt  }
0x69: {  	_ =	shalt  }
0x6a: {  	_ =	shalt  }
0x6b: {  	_ =	shalt  }
0x6c: {  	_ =	shalt  }
0x6d: {  	_ =	shalt  }
0x6e: {  	_ =	shalt  }
0x6f: {  	_ =	shalt  }
0x70: {  	_ =	shalt  }
0x71: {  	_ =	shalt  }
0x72: {  	_ =	shalt  }
0x73: {  	_ =	shalt  }
0x74: {  	_ =	shalt  }
0x75: {  	_ =	shalt  }
0x76: {  	_ =	shalt  }
0x77: {  	_ =	shalt  }
0x78: {  	_ =	shalt  }
0x79: {  	_ =	shalt  }
0x7a: {  	_ =	shalt  }
0x7b: {  	_ =	shalt  }
0x7c: {  	_ =	shalt  }
0x7d: {  	_ =	shalt  }
0x7e: {  	_ =	shalt  }
0x7f: {  	_ =	shalt  }
0x80: {  	_ =	shalt  }
0x81: {  	_ =	shalt  }
0x82: {  	_ =	shalt  }
0x83: {  	_ =	shalt  }
0x84: {  	_ =	shalt  }
0x85: {  	_ =	shalt  }
0x86: {  	_ =	shalt  }
0x87: {  	_ =	shalt  }
.Lfunc_end0:
.L_simem_size_0:
called_computation_lowered:
.L_overlay_start_0:
0x88: {  	s2 =	sld [smem:$0x3FD9]  }
0x89: {  	s3 =	sld [smem:$0x3FFE];
	_ =	sdelay $0x1  }
0x8a: {  	s1 =	srdreg.scid  }
0x8b: {  	s0 =	sand.u32 $0x1, s1  }
0x8c: {  	s17 =	sshll.u32 s0, $0xA;
	s2 =	sadd.s32 s3, s2  }
0x8d: {  	s2 =	sadd.s32 s2, s17  }
0x8e: {  	[smem:$0x3FC4] =	sst s2  }
0x8f: {  	_ = 	snop  }
0x90: {  	s2 =	sld [smem:$0x3FC8]  }
0x91: {  	s18 =	sld [smem:$0x3FC7];
	(tm) =	ssettm $0x1  }
0x92: {  	s4 =	sld [smem:$0x3FFB];
	_ =	sdelay $0x3  }
0x93: {  	_ =	strace s4  }
0x94: {  	s4 =	sld [smem:$0x3FFC];
	_ =	sdelay $0x3  }
0x95: {  	_ =	strace s4  }
0x96: {  	s4 =	sld [smem:$0x3FFD];
	_ =	sdelay $0x3  }
0x97: {  	_ =	strace s4  }
0x98: {  	_ =	strace $0x8FFFFFFF  }
0x99: {  	s19 =	sld [smem:$0x3FDB];
	_ =	sdelay $0x1  }
0x9a: {  	s5 =	simm.s32 $_scs_section_size  }
0x9b: {  	s6 =	simm.s32 $_size__tile_overlayer_lowered;
	s7 =	simm.s32 $_tile_overlayer_lowered  }
0x9c: {  	s22 =	simm.s32 $0x1BFF;
	s21 =	sshll.u32 s7, $0x1;
	s4 =	sadd.s32 s5, s19  }
0x9d: {  	s8 =	simm.s32 $0x0;
	s20 =	sshll.u32 s6, $0x1;
	s6 =	sadd.s32 s21, s4  }
0x9e: {  	[timem:s8], [sflag:s22] =	dma.local [hbm:s6], s20  }
0x9f: {  	_ =	swait.ge [sflag:s22], s20  }
0xa0: {  	s5 =	ssub.s32 $0x0, s20;
	[sflag:s22] =	ssyncset.done $0x0  }
0xa1: {  	[sflag:s22] =	ssyncadd.s32 s5;
	_ =	sdelay $0x1  }
0xa2: {  	s23 =	simm.s32 $0x1B8B  }
0xa3: {  	_ =	swait.ge [sflag:s23], $0x1  }
0xa4: {  	[sflag:s23] =	ssyncset.done $0x0  }
0xa5: {  	s25 =	simm.s32 $0x1B8E;
	s24 =	sld [smem:$0x3FFE];
	[sflag:s23] =	ssyncadd.s32 $0xFFFFFFFF  }
0xa6: {  	s26 =	simm.s32 $execute0_lowered;
	[smem:$0x3FD2] =	sst s25  }
0xa7: {  	s6 =	sshll.u32 s26, $0x1;
	_ =	strace $0x80000046;
	[dreg:$0x1] =	wrdreg $0xFFFFFFFF  }
0xa8: {  	s28 =	simm.s32 $_size_execute0_lowered;
	s4 =	sadd.s32 s4, s6;
	[dreg:$0x0] =	wrdreg $0x0  }
0xa9: {  	s6 =	sshll.u32 s28, $0x1;
	[dreg:$0x2] =	wrdreg s4  }
0xaa: {  	[dreg:$0x3] =	wrdreg s6  }
0xab: {  	[dreg:$0x4] =	wrdreg $0xC0  }
0xac: {  	_ =	task [dreg:s8], $0x5FFFF  }
0xad: {  	[dreg:$0x1] =	wrdreg $0xFFFFFFFF  }
0xae: {  	[dreg:$0x0] =	wrdreg $0x60  }
0xaf: {  	[dreg:$0x2] =	wrdreg s24  }
0xb0: {  	[dreg:$0x3] =	wrdreg s2  }
0xb1: {  	[dreg:$0x4] =	wrdreg s18  }
0xb2: {  	[dreg:$0x5] =	wrdreg $0x9  }
0xb3: {  	_ =	task.clear_ibuf [dreg:s8], $0x6FFFF;
	_ =	strace $0x90000046  }
0xb4: {  	s29 =	simm.s32 $0x9;
	_ =	strace $0x80000048  }
0xb5: {  	_ =	swait.ge [sflag:s29], $0x1  }
0xb6: {  	[sflag:s29] =	ssyncadd.s32 $0xFFFFFFFF  }
0xb7: {  	_ =	strace $0x90000048  }
0xb8: {  	_ =	sfence  }
0xb9: {  	s30 =	sld [smem:$0x0];
	_ =	sdelay $0x2  }
0xba: {  	s31 =	sshll.u32 s1, $0xD;
	s1 =	sshrl.u32 s1, $0x2  }
0xbb: {  	s3 =	sand.u32 $0x4000, s31;
	s1 =	sadd.s32 s1, s30  }
0xbc: {  	s0 =	sor.u32 s3, s0;
	s1 =	sshll.u32 s1, $0x11  }
0xbd: {  	s0 =	sor.u32 s1, s0  }
0xbe: {  	s0 =	sadd.s32 $0x8F2B, s0  }
0xbf: {  	[sflag:s0] =	ssyncadd.remote.s32 $0x1  }
0xc0: {  	_ =	sfence.sel $0xFFFF  }
0xc1: {  	[dreg:$0x0] =	wrdreg $0xFFFFFFFF;
	(pc) =	sbr.abs _section_cstart, $3  }
0xc2: {  	[dreg:$0x1] =	wrdreg $0xFFFFFFFF  }
0xc3: {  	_ =	task.clear_ibuf [dreg:s8], $0x2FFFF;
	_ =	strace $0x9FFFFFFF  }
0xc4: {  	(tm) =	ssettm $0x7FFFFFFF  }
0xc5: {  	_ =	shalt  }
tec
execute0_lowered:
.L_overlay_start_1:
0x0: {  	(tag) =	ssettag $0x1  }
0x1: {  	s0 =	rddreg [dreg:$0x0]  }
0x2: {  	s1 =	rddreg [dreg:$0x1]  }
0x3: {  	s2 =	rddreg [dreg:$0x2];
	s3 =	srdreg.scid  }
0x4: {  	s4 =	simm.s32 $0x0;
	s6 =	stileid.u32;
	s22 =	simm.s32 $0x1AF10  }
0x5: {  	s23 =	simm.s32 $0x1B6E0;
	s24 =	simm.s32 $0x1BEB0;
	s28 =	simm.s32 $0x1  }
0x6: {  	s29 =	simm.s32 $0x2;
	s30 =	simm.s32 $0x3;
	s3 =	sand.u32 $0x1, s3  }
0x7: {  	s31 =	simm.s32 $0x0;
	[smem:$0x7FF] =	sst s4;
	s5 =	sshll.u32 s3, $0x4  }
0x8: {  	s7 =	sadd.s32 $0x600, s0;
	s3 =	ssub.s32 $0x2, s3;
	s6 =	sor.u32 s6, s5  }
0x9: {  	_ =	strace $0x80000047;
	s25 =	sshrl.u32 s3, $0x1;
	s8 =	smul.u32 $0x3100, s6  }
0xa: {  	s5 =	sadd.s32 $0x187200, s0;
	s14 =	smul.u32 $0x30D40, s6;
	s3 =	ssub.s32 s3, s25  }
0xb: {  	s6 =	sadd.s32 $0xC3C00, s0;
	s25 =	simm.s32 $0x1C680;
	s16 =	smax.u32 s3, $0x1  }
0xc: {  	s0 =	sadd.s32 s8, s0;
	s12 =	sshrl.u32 s14, $0x3;
	s13 =	sadd.s32 $0x7D0, s14  }
0xd: {  	s14 =	sadd.s32 $0xFA0, s14;
	s26 =	sadd.s32 s5, s12;
	s9 =	sadd.s32 s6, s12  }
0xe: {  	s10 =	sadd.s32 s7, s12;
	s11 =	sadd.s32 s1, s12;
	s12 =	sadd.s32 s2, s12  }
0xf: {  	v0 =	vimm.f32 $0.0e+00;
	s15 =	sadd.s32 $0x24A800, s0;
	[dreg:$0x4] =	wrdreg s26;
	s26 =	simm.s32 $0x1CE50  }
.LBB2_1:
0x10: {  	s0 =	rddreg [dreg:$0x4];
	s3 =	simm.s32 $0x18800  }
0x11: {  	[tilespmem:s3], [sflag:$0x1] =	stream.linear.gather [hbm4b:s0+s4], $0x7D0, $0x38;
	[tilespmem:$0x1D620] =	vst v63  }
0x12: {  	s18 =	simm.s32 $0x18FD0  }
0x13: {  	[tilespmem:s18], [sflag:$0x1] =	stream.linear.gather [hbm4b:s9+s4], $0x7D0, $0x38;
	[tilespmem:$0x1D620] =	vst v63  }
0x14: {  	s19 =	simm.s32 $0x197A0  }
0x15: {  	[tilespmem:s19], [sflag:$0x1] =	stream.linear.gather [hbm4b:s10+s4], $0x7D0, $0x38;
	[tilespmem:$0x1D620] =	vst v63  }
0x16: {  	s20 =	simm.s32 $0x19F70  }
0x17: {  	[tilespmem:s20], [sflag:$0x1] =	stream.linear.gather [hbm4b:s11+s4], $0x7D0, $0x38;
	[tilespmem:$0x1D620] =	vst v63  }
0x18: {  	s21 =	simm.s32 $0x1A740;
	s0 =	simm.s32 $0x80  }
0x19: {  	[tilespmem:s21], [sflag:$0x1] =	stream.linear.gather [hbm4b:s12+s4], $0x7D0, $0x38;
	[tilespmem:$0x1D620] =	vst v63  }
0x1a: {  	[tilespmem:s0+$0xFFFFFF80] =	vst v0  }
0x1b: {  	[tilespmem:s0+$0x70] =	vst v0  }
0x1c: {  	[tilespmem:s0+$0x60] =	vst v0  }
0x1d: {  	[tilespmem:s0+$0x50] =	vst v0  }
0x1e: {  	[tilespmem:s0+$0x40] =	vst v0  }
0x1f: {  	[tilespmem:s0+$0x30] =	vst v0  }
0x20: {  	[tilespmem:s0+$0x20] =	vst v0  }
0x21: {  	[tilespmem:s0+$0x10] =	vst v0  }
0x22: {  	[tilespmem:s0+$0x0] =	vst v0  }
0x23: {  	[tilespmem:s0+$0xFFFFFFF0] =	vst v0  }
0x24: {  	[tilespmem:s0+$0xFFFFFFE0] =	vst v0  }
0x25: {  	[tilespmem:s0+$0xFFFFFFD0] =	vst v0  }
0x26: {  	[tilespmem:s0+$0xFFFFFFC0] =	vst v0  }
0x27: {  	[tilespmem:s0+$0xFFFFFFB0] =	vst v0  }
0x28: {  	s3 =	simm.s32 $0x0;
	[tilespmem:s0+$0xFFFFFFA0] =	vst v0  }
.LBB2_2:
0x29: {  	s3 =	sadd.s32 $0x4, s3;
	[tilespmem:s0+$0xFFFFFF90] =	vst v0;
	s0 =	sadd.s32 $0x100, s0  }
0x2a: {  	[tilespmem:s0+$0xFFFFFF80] =	vst v0;
	p0 =	slt.u32 s3, $0x61C  }
0x2b: {  	[tilespmem:s0+$0x70] =	vst v0  }
0x2c: {  	[tilespmem:s0+$0x60] =	vst v0  }
0x2d: {  	[tilespmem:s0+$0x50] =	vst v0  }
0x2e: {  	[tilespmem:s0+$0x40] =	vst v0  }
0x2f: {  	[tilespmem:s0+$0x30] =	vst v0  }
0x30: {  	[tilespmem:s0+$0x20] =	vst v0  }
0x31: {  	[tilespmem:s0+$0x10] =	vst v0  }
0x32: {  	[tilespmem:s0+$0x0] =	vst v0  }
0x33: {  	[tilespmem:s0+$0xFFFFFFF0] =	vst v0  }
.Ltmp0:
0x34: {  	[tilespmem:s0+$0xFFFFFFE0] =	vst v0;
	(pc) =	sbr.rel @p0 .LBB2_2-.Ltmp0, $4  }
0x35: {  	[tilespmem:s0+$0xFFFFFFD0] =	vst v0  }
0x36: {  	[tilespmem:s0+$0xFFFFFFC0] =	vst v0  }
0x37: {  	[tilespmem:s0+$0xFFFFFFB0] =	vst v0  }
0x38: {  	[tilespmem:s0+$0xFFFFFFA0] =	vst v0  }
0x39: {  	[tilespmem:s0+$0xFFFFFF90] =	vst v0;
	s0 =	simm.s32 $0x0  }
.LBB2_4:
0x3a: {  	s3 =	smul.u32 $0xFA0, s0;
	_ =	sdelay $0x1  }
0x3b: {  	s8 =	sadd.s32 s3, s13  }
0x3c: {  	s8 =	sshrl.u32 s8, $0x3  }
0x3d: {  	s17 =	sadd.s32 s5, s8  }
0x3e: {  	[tilespmem:s22], [sflag:$0x2] =	stream.linear.gather [hbm4b:s17+s4], $0x7D0, $0x38;
	[tilespmem:$0x1D620] =	vst v63  }
0x3f: {  	s21 =	sadd.s32 s6, s8  }
0x40: {  	[tilespmem:s23], [sflag:$0x2] =	stream.linear.gather [hbm4b:s21+s4], $0x7D0, $0x38;
	[tilespmem:$0x1D620] =	vst v63  }
0x41: {  	s18 =	sadd.s32 s7, s8  }
0x42: {  	[tilespmem:s24], [sflag:$0x2] =	stream.linear.gather [hbm4b:s18+s4], $0x7D0, $0x38;
	[tilespmem:$0x1D620] =	vst v63  }
0x43: {  	s19 =	sadd.s32 s1, s8  }
0x44: {  	[tilespmem:s25], [sflag:$0x2] =	stream.linear.gather [hbm4b:s19+s4], $0x7D0, $0x38;
	[tilespmem:$0x1D620] =	vst v63  }
0x45: {  	s8 =	sadd.s32 s2, s8  }
0x46: {  	[tilespmem:s26], [sflag:$0x2] =	stream.linear.gather [hbm4b:s8+s4], $0x7D0, $0x38;
	[tilespmem:$0x1D620] =	vst v63  }
0x47: {  	_ =	swait.ge [sflag:s28], $0x7D0  }
0x48: {  	[sflag:s28] =	ssyncset.done $0x0  }
0x49: {  	[sflag:s28] =	ssyncadd.s32 $0xFFFFF830  }
0x4a: {  	_ =	swait.ge [sflag:s28], $0x7D0  }
0x4b: {  	[sflag:s28] =	ssyncset.done $0x0  }
0x4c: {  	[sflag:s28] =	ssyncadd.s32 $0xFFFFF830  }
0x4d: {  	_ =	swait.ge [sflag:s28], $0x7D0  }
0x4e: {  	[sflag:s28] =	ssyncset.done $0x0  }
0x4f: {  	[sflag:s28] =	ssyncadd.s32 $0xFFFFF830  }
0x50: {  	_ =	swait.ge [sflag:s28], $0x7D0  }
0x51: {  	[sflag:s28] =	ssyncset.done $0x0  }
0x52: {  	[sflag:s28] =	ssyncadd.s32 $0xFFFFF830  }
0x53: {  	_ =	swait.ge [sflag:s28], $0x7D0  }
0x54: {  	[sflag:s28] =	ssyncset.done $0x0  }
0x55: {  	s18 =	simm.s32 $0x18FF0;
	[sflag:s28] =	ssyncadd.s32 $0xFFFFF830  }
0x56: {  	v2 =	vld [tilespmem:s18+$0x20]  }
0x57: {  	s20 =	simm.s32 $0x18820;
	v3 =	vld [tilespmem:s18+$0x10]  }
0x58: {  	v4 =	vld [tilespmem:s20+$0x10]  }
0x59: {  	v5 =	vld [tilespmem:s20+$0x20]  }
0x5a: {  	s17 =	simm.s32 $0x197C0  }
0x5b: {  	v7 =	vld [tilespmem:s17+$0x20]  }
0x5c: {  	v6 =	vld [tilespmem:s17+$0x10]  }
0x5d: {  	v10 =	vld [tilespmem:s18+$0x0];
	v3 =	vmul.f32 v3, v3;
	v4 =	vmul.f32 v4, v4  }
0x5e: {  	v11 =	vld [tilespmem:s18+$0xFFFFFFE0];
	v5 =	vmul.f32 v5, v5;
	v2 =	vmul.f32 v2, v2  }
0x5f: {  	v3 =	vadd.f32 v3, v4;
	v4 =	vld [tilespmem:s20+$0x0]  }
0x60: {  	v2 =	vadd.f32 v2, v5;
	v5 =	vmul.f32 v7, v7;
	v7 =	vld [tilespmem:s20+$0xFFFFFFE0]  }
0x61: {  	v9 =	vld [tilespmem:s17+$0x0]  }
0x62: {  	v2 =	vadd.f32 v5, v2;
	v5 =	vld [tilespmem:s17+$0xFFFFFFE0]  }
0x63: {  	v6 =	vmul.f32 v6, v6  }
0x64: {  	v1 =	vld [tilespmem:s20+$0xFFFFFFF0];
	v10 =	vmul.f32 v10, v10;
	v4 =	vmul.f32 v4, v4  }
0x65: {  	v11 =	vmul.f32 v11, v11;
	v3 =	vadd.f32 v6, v3;
	v6 =	vld [tilespmem:s18+$0xFFFFFFF0];
	v7 =	vmul.f32 v7, v7  }
0x66: {  	v9 =	vmul.f32 v9, v9;
	v10 =	vadd.f32 v10, v4  }
0x67: {  	v8 =	vld [tilespmem:s17+$0xFFFFFFF0];
	(erf) = vrcp.f32 v3;
	v13 =	vmul.f32 v5, v5;
	v7 =	vadd.f32 v11, v7  }
0x68: {  	s21 =	simm.s32 $0x1A760;
	v9 =	vadd.f32 v9, v10  }
0x69: {  	v12 =	vmul.f32 v1, v1;
	v1 =	vld [tilespmem:s21+$0xFFFFFFF0];
	s18 =	simm.s32 $0x19F90;
	(erf) = vrcp.f32 v2;
	v11 =	vadd.f32 v13, v7  }
0x6a: {  	v3 =	vld [tilespmem:s18+$0xFFFFFFE0];
	v6 =	vmul.f32 v6, v6;
	(erf) = vrcp.f32 v9  }
0x6b: {  	v2 =	vld [tilespmem:s21+$0xFFFFFFE0];
	(erf) = vrcp.f32 v11  }
0x6c: {  	v8 =	vmul.f32 v8, v8;
	v4 =	vld [tilespmem:s21+$0x0];
	v10 =	vadd.f32 v6, v12  }
0x6d: {  	v5 =	vld [tilespmem:s18+$0xFFFFFFF0]  }
0x6e: {  	v6 =	vld [tilespmem:s18+$0x0];
	v10 =	vadd.f32 v8, v10  }
0x6f: {  	v7 =	vld [tilespmem:s21+$0x10]  }
0x70: {  	v8 =	vld [tilespmem:s18+$0x10];
	v12 =	vpop (erf);
	(erf) = vrcp.f32 v10  }
0x71: {  	s19 =	simm.s32 $0x0;
	v9 =	vld [tilespmem:s21+$0x20]  }
0x72: {  	s8 =	simm.s32 $0x1A7B0;
	s20 =	simm.s32 $0x18870;
	s21 =	simm.s32 $0x19040;
	v10 =	vld [tilespmem:s18+$0x20];
	v13 =	vmul.f32 v12, v12;
	v11 =	vpop (erf)  }
.LBB2_5:
0x73: {  	v14 =	vld [tilespmem:s20+$0xFFFFFFF0];
	s19 =	sadd.s32 $0x5, s19;
	s17 =	sadd.s32 $0x50, s17;
	s18 =	sadd.s32 $0x50, s18;
	v15 =	vpop (erf)  }
0x74: {  	v16 =	vld [tilespmem:s17+$0x10];
	p0 =	slt.u32 s19, $0x78;
	v17 =	vmul.f32 v15, v15;
	v12 =	vmul.f32 v13, v12;
	v13 =	vpop (erf)  }
0x75: {  	v18 =	vld [tilespmem:s17+$0xFFFFFFF0];
	v19 =	vmul.f32 v13, v13  }
0x76: {  	v24 =	vmul.f32 v11, v11;
	v20 =	vld [tilespmem:s17+$0xFFFFFFE0];
	v21 =	vmul.f32 v12, v12  }
0x77: {  	v15 =	vmul.f32 v17, v15;
	v23 =	vld [tilespmem:s17+$0x20];
	v13 =	vmul.f32 v19, v13  }
0x78: {  	v11 =	vmul.f32 v24, v11;
	v17 =	vld [tilespmem:s17+$0x0];
	v12 =	vsub.f32 v21, v12  }
0x79: {  	v14 =	vmul.f32 v14, v14;
	v21 =	vmul.f32 v15, v15;
	v19 =	vld [tilespmem:s21+$0x20];
	v22 =	vpop (erf)  }
0x7a: {  	v26 =	vmul.f32 v11, v11;
	v24 =	vld [tilespmem:s21+$0x0];
	v25 =	vmul.f32 v22, v22;
	v12 =	vadd.f32 v12, v12  }
0x7b: {  	v28 =	vmul.f32 v13, v13;
	v15 =	vsub.f32 v21, v15;
	v27 =	vld [tilespmem:s21+$0xFFFFFFE0]  }
0x7c: {  	v11 =	vsub.f32 v26, v11;
	v21 =	vld [tilespmem:s21+$0x10];
	v22 =	vmul.f32 v25, v22  }
0x7d: {  	v13 =	vsub.f32 v28, v13;
	v15 =	vadd.f32 v15, v15;
	v25 =	vld [tilespmem:s20+$0xFFFFFFE0]  }
0x7e: {  	v11 =	vadd.f32 v11, v11;
	v26 =	vld [tilespmem:s21+$0xFFFFFFF0];
	v28 =	vmul.f32 v22, v22  }
0x7f: {  	v13 =	vadd.f32 v13, v13;
	v29 =	vld [tilespmem:s20+$0x0]  }
0x80: {  	v11 =	vadd.f32 $1.279918070e-04, v11;
	v30 =	vld [tilespmem:s20+$0x10];
	v22 =	vsub.f32 v28, v22  }
0x81: {  	v16 =	vmul.f32 v16, v16;
	v27 =	vmul.f32 v27, v27;
	v28 =	vld [tilespmem:s20+$0x20]  }
0x82: {  	v20 =	vmul.f32 v20, v20;
	v12 =	vadd.f32 $1.279918070e-04, v12;
	v25 =	vmul.f32 v25, v25;
	[tilespmem:v10+s4+$0x0] =	vst.idx.add.f32.msk $0xffff, v11  }
0x83: {  	v10 =	vmul.f32 v21, v21;
	v21 =	vadd.f32 v22, v22;
	[tilespmem:v9+s4+$0x0] =	vst.idx.add.f32.msk $0xffff, v11  }
0x84: {  	v15 =	vadd.f32 $1.279918070e-04, v15;
	v11 =	vmul.f32 v17, v17;
	v9 =	vmul.f32 v29, v29;
	[tilespmem:v8+s4+$0x0] =	vst.idx.add.f32.msk $0xffff, v12  }
0x85: {  	v22 =	vmul.f32 v24, v24;
	v8 =	vadd.f32 v27, v25;
	v17 =	vld [tilespmem:s8+$0xFFFFFFF0];
	v24 =	vmul.f32 v30, v30  }
0x86: {  	v19 =	vmul.f32 v19, v19;
	v21 =	vadd.f32 $1.279918070e-04, v21;
	v25 =	vmul.f32 v28, v28;
	[tilespmem:v7+s4+$0x0] =	vst.idx.add.f32.msk $0xffff, v12  }
0x87: {  	v7 =	vadd.f32 v22, v9;
	v9 =	vadd.f32 v10, v24;
	[tilespmem:v6+s4+$0x0] =	vst.idx.add.f32.msk $0xffff, v15  }
0x88: {  	v12 =	vadd.f32 $1.279918070e-04, v13;
	v10 =	vmul.f32 v23, v23;
	v6 =	vadd.f32 v19, v25;
	[tilespmem:v5+s4+$0x0] =	vst.idx.add.f32.msk $0xffff, v21  }
0x89: {  	v5 =	vadd.f32 v11, v7;
	v7 =	vadd.f32 v16, v9;
	[tilespmem:v4+s4+$0x0] =	vst.idx.add.f32.msk $0xffff, v15  }
0x8a: {  	v4 =	vadd.f32 v20, v8;
	v6 =	vadd.f32 v10, v6;
	[tilespmem:v3+s4+$0x0] =	vst.idx.add.f32.msk $0xffff, v12  }
0x8b: {  	(erf) = vrcp.f32 v7;
	[tilespmem:v2+s4+$0x0] =	vst.idx.add.f32.msk $0xffff, v12  }
0x8c: {  	(erf) = vrcp.f32 v6;
	[tilespmem:v1+s4+$0x0] =	vst.idx.add.f32.msk $0xffff, v21;
	v1 =	vmov v17  }
0x8d: {  	v6 =	vmul.f32 v26, v26;
	v2 =	vld [tilespmem:s8+$0xFFFFFFE0];
	(erf) = vrcp.f32 v5  }
0x8e: {  	v3 =	vld [tilespmem:s18+$0xFFFFFFE0];
	(erf) = vrcp.f32 v4  }
0x8f: {  	v7 =	vmul.f32 v18, v18;
	v6 =	vadd.f32 v6, v14;
	v4 =	vld [tilespmem:s8+$0x0]  }
0x90: {  	v5 =	vld [tilespmem:s18+$0xFFFFFFF0]  }
.Ltmp1:
0x91: {  	v9 =	vadd.f32 v7, v6;
	v6 =	vld [tilespmem:s18+$0x0];
	(pc) =	sbr.rel @p0 .LBB2_5-.Ltmp1, $4  }
0x92: {  	v7 =	vld [tilespmem:s8+$0x10]  }
0x93: {  	v8 =	vld [tilespmem:s18+$0x10];
	(erf) = vrcp.f32 v9  }
0x94: {  	v9 =	vld [tilespmem:s8+$0x20];
	v12 =	vpop (erf)  }
0x95: {  	s21 =	sadd.s32 $0x50, s21;
	s20 =	sadd.s32 $0x50, s20;
	s8 =	sadd.s32 $0x50, s8;
	v13 =	vmul.f32 v12, v12;
	v10 =	vld [tilespmem:s18+$0x20];
	v11 =	vpop (erf)  }
0x96: {  	v14 =	vmul.f32 v11, v11;
	_ =	sdelay $0x1  }
0x97: {  	v11 =	vmul.f32 v14, v11  }
0x98: {  	v15 =	vpop (erf);
	v12 =	vmul.f32 v13, v12  }
0x99: {  	v14 =	vmul.f32 v15, v15;
	v17 =	vmul.f32 v11, v11  }
0x9a: {  	v13 =	vpop (erf);
	v18 =	vmul.f32 v12, v12  }
0x9b: {  	v14 =	vmul.f32 v14, v15;
	v15 =	vmul.f32 v13, v13;
	v16 =	vpop (erf);
	v11 =	vsub.f32 v17, v11  }
0x9c: {  	v12 =	vsub.f32 v18, v12;
	v19 =	vmul.f32 v16, v16  }
0x9d: {  	v62 =	vmul.f32 v14, v14;
	v13 =	vmul.f32 v15, v13;
	v11 =	vadd.f32 v11, v11  }
0x9e: {  	v12 =	vadd.f32 v12, v12;
	v16 =	vmul.f32 v19, v16  }
0x9f: {  	v14 =	vsub.f32 v62, v14;
	v63 =	vmul.f32 v13, v13;
	v11 =	vadd.f32 $1.279918070e-04, v11  }
0xa0: {  	v12 =	vadd.f32 $1.279918070e-04, v12;
	v15 =	vmul.f32 v16, v16  }
0xa1: {  	v14 =	vadd.f32 v14, v14;
	[tilespmem:v10+s4+$0x0] =	vst.idx.add.f32.msk $0xffff, v11;
	v10 =	vsub.f32 v63, v13  }
0xa2: {  	[tilespmem:v8+s4+$0x0] =	vst.idx.add.f32.msk $0xffff, v12;
	v15 =	vsub.f32 v15, v16  }
0xa3: {  	[tilespmem:v9+s4+$0x0] =	vst.idx.add.f32.msk $0xffff, v11;
	v9 =	vadd.f32 $1.279918070e-04, v14;
	v8 =	vadd.f32 v10, v10  }
0xa4: {  	[tilespmem:v7+s4+$0x0] =	vst.idx.add.f32.msk $0xffff, v12;
	v13 =	vadd.f32 v15, v15  }
0xa5: {  	[tilespmem:v6+s4+$0x0] =	vst.idx.add.f32.msk $0xffff, v9;
	v6 =	vadd.f32 $1.279918070e-04, v8  }
0xa6: {  	[tilespmem:v4+s4+$0x0] =	vst.idx.add.f32.msk $0xffff, v9;
	v10 =	vadd.f32 $1.279918070e-04, v13  }
0xa7: {  	p0 =	seq.s32 s0, $0x31;
	[tilespmem:v3+s4+$0x0] =	vst.idx.add.f32.msk $0xffff, v6  }
0xa8: {  	s3 =	sadd.s32 @!p0 s3, s14;
	[tilespmem:v5+s4+$0x0] =	vst.idx.add.f32.msk $0xffff, v10  }
0xa9: {  	s3 =	sshrl.u32 @!p0 s3, $0x3;
	[tilespmem:v2+s4+$0x0] =	vst.idx.add.f32.msk $0xffff, v6  }
0xaa: {  	s17 =	simm.s32 @!p0 $0x0;
	s18 =	simm.s32 @!p0 $0x18800;
	s8 =	sadd.s32 @!p0 s5, s3;
	[tilespmem:v1+s4+$0x0] =	vst.idx.add.f32.msk $0xffff, v10  }
0xab: {  	[tilespmem:s18], [sflag:$0x1] =	stream.linear.gather @!p0 [hbm4b:s8+s17], $0x7D0, $0x38;
	[tilespmem:$0x1D620] =	vst v63  }
0xac: {  	s8 =	sadd.s32 @!p0 s6, s3;
	s18 =	simm.s32 @!p0 $0x18FD0  }
0xad: {  	[tilespmem:s18], [sflag:$0x1] =	stream.linear.gather @!p0 [hbm4b:s8+s17], $0x7D0, $0x38;
	[tilespmem:$0x1D620] =	vst v63  }
0xae: {  	s8 =	sadd.s32 @!p0 s7, s3;
	s18 =	simm.s32 @!p0 $0x197A0  }
0xaf: {  	[tilespmem:s18], [sflag:$0x1] =	stream.linear.gather @!p0 [hbm4b:s8+s17], $0x7D0, $0x38;
	[tilespmem:$0x1D620] =	vst v63  }
0xb0: {  	s8 =	sadd.s32 @!p0 s1, s3;
	s18 =	simm.s32 @!p0 $0x19F70  }
0xb1: {  	[tilespmem:s18], [sflag:$0x1] =	stream.linear.gather @!p0 [hbm4b:s8+s17], $0x7D0, $0x38;
	[tilespmem:$0x1D620] =	vst v63  }
0xb2: {  	s3 =	sadd.s32 @!p0 s2, s3;
	s8 =	simm.s32 @!p0 $0x1A740  }
0xb3: {  	[tilespmem:s8], [sflag:$0x1] =	stream.linear.gather @!p0 [hbm4b:s3+s17], $0x7D0, $0x38;
	[tilespmem:$0x1D620] =	vst v63  }
0xb4: {  	_ =	swait.ge [sflag:s29], $0x7D0  }
0xb5: {  	[sflag:s29] =	ssyncset.done $0x0  }
0xb6: {  	[sflag:s29] =	ssyncadd.s32 $0xFFFFF830  }
0xb7: {  	_ =	swait.ge [sflag:s29], $0x7D0  }
0xb8: {  	[sflag:s29] =	ssyncset.done $0x0  }
0xb9: {  	[sflag:s29] =	ssyncadd.s32 $0xFFFFF830  }
0xba: {  	_ =	swait.ge [sflag:s29], $0x7D0  }
0xbb: {  	[sflag:s29] =	ssyncset.done $0x0  }
0xbc: {  	[sflag:s29] =	ssyncadd.s32 $0xFFFFF830  }
0xbd: {  	_ =	swait.ge [sflag:s29], $0x7D0  }
0xbe: {  	[sflag:s29] =	ssyncset.done $0x0  }
0xbf: {  	[sflag:s29] =	ssyncadd.s32 $0xFFFFF830  }
0xc0: {  	_ =	swait.ge [sflag:s29], $0x7D0  }
0xc1: {  	[sflag:s29] =	ssyncset.done $0x0  }
0xc2: {  	s20 =	simm.s32 $0x1B700;
	[sflag:s29] =	ssyncadd.s32 $0xFFFFF830  }
0xc3: {  	v2 =	vld [tilespmem:s20+$0x20]  }
0xc4: {  	s19 =	simm.s32 $0x1AF30;
	v3 =	vld [tilespmem:s20+$0x10]  }
0xc5: {  	v4 =	vld [tilespmem:s19+$0x10]  }
0xc6: {  	v5 =	vld [tilespmem:s19+$0x20]  }
0xc7: {  	s3 =	simm.s32 $0x1BED0  }
0xc8: {  	v7 =	vld [tilespmem:s3+$0x20]  }
0xc9: {  	v6 =	vld [tilespmem:s3+$0x10]  }
0xca: {  	v10 =	vld [tilespmem:s20+$0x0];
	v3 =	vmul.f32 v3, v3;
	v4 =	vmul.f32 v4, v4  }
0xcb: {  	v11 =	vld [tilespmem:s20+$0xFFFFFFE0];
	v5 =	vmul.f32 v5, v5;
	v2 =	vmul.f32 v2, v2  }
0xcc: {  	v3 =	vadd.f32 v3, v4;
	v4 =	vld [tilespmem:s19+$0x0]  }
0xcd: {  	v2 =	vadd.f32 v2, v5;
	v5 =	vmul.f32 v7, v7;
	v7 =	vld [tilespmem:s19+$0xFFFFFFE0]  }
0xce: {  	v9 =	vld [tilespmem:s3+$0x0]  }
0xcf: {  	v2 =	vadd.f32 v5, v2;
	v5 =	vld [tilespmem:s3+$0xFFFFFFE0]  }
0xd0: {  	v6 =	vmul.f32 v6, v6  }
0xd1: {  	v1 =	vld [tilespmem:s19+$0xFFFFFFF0];
	v10 =	vmul.f32 v10, v10;
	v4 =	vmul.f32 v4, v4  }
0xd2: {  	v11 =	vmul.f32 v11, v11;
	v3 =	vadd.f32 v6, v3;
	v6 =	vld [tilespmem:s20+$0xFFFFFFF0];
	v7 =	vmul.f32 v7, v7  }
0xd3: {  	v9 =	vmul.f32 v9, v9;
	v10 =	vadd.f32 v10, v4  }
0xd4: {  	v8 =	vld [tilespmem:s3+$0xFFFFFFF0];
	(erf) = vrcp.f32 v3;
	v13 =	vmul.f32 v5, v5;
	v7 =	vadd.f32 v11, v7  }
0xd5: {  	s21 =	simm.s32 $0x1CE70;
	v9 =	vadd.f32 v9, v10  }
0xd6: {  	s17 =	simm.s32 $0x1C6A0;
	v12 =	vmul.f32 v1, v1;
	v1 =	vld [tilespmem:s21+$0xFFFFFFF0];
	(erf) = vrcp.f32 v2;
	v11 =	vadd.f32 v13, v7  }
0xd7: {  	v3 =	vld [tilespmem:s17+$0xFFFFFFE0];
	v6 =	vmul.f32 v6, v6;
	(erf) = vrcp.f32 v9  }
0xd8: {  	v2 =	vld [tilespmem:s21+$0xFFFFFFE0];
	(erf) = vrcp.f32 v11  }
0xd9: {  	v8 =	vmul.f32 v8, v8;
	v4 =	vld [tilespmem:s21+$0x0];
	v10 =	vadd.f32 v6, v12  }
0xda: {  	v5 =	vld [tilespmem:s17+$0xFFFFFFF0]  }
0xdb: {  	v6 =	vld [tilespmem:s17+$0x0];
	v10 =	vadd.f32 v8, v10  }
0xdc: {  	v7 =	vld [tilespmem:s21+$0x10]  }
0xdd: {  	v8 =	vld [tilespmem:s17+$0x10];
	v12 =	vpop (erf);
	(erf) = vrcp.f32 v10  }
0xde: {  	s18 =	simm.s32 $0x0;
	v9 =	vld [tilespmem:s21+$0x20]  }
0xdf: {  	s8 =	simm.s32 $0x1CEC0;
	s19 =	simm.s32 $0x1AF80;
	s20 =	simm.s32 $0x1B750;
	v10 =	vld [tilespmem:s17+$0x20];
	v13 =	vmul.f32 v12, v12;
	v11 =	vpop (erf)  }
.LBB2_7:
0xe0: {  	v14 =	vld [tilespmem:s19+$0xFFFFFFF0];
	s18 =	sadd.s32 $0x5, s18;
	s3 =	sadd.s32 $0x50, s3;
	s17 =	sadd.s32 $0x50, s17;
	v15 =	vpop (erf)  }
0xe1: {  	v16 =	vld [tilespmem:s3+$0x10];
	p0 =	slt.u32 s18, $0x78;
	v17 =	vmul.f32 v15, v15;
	v12 =	vmul.f32 v13, v12;
	v13 =	vpop (erf)  }
0xe2: {  	v18 =	vld [tilespmem:s3+$0xFFFFFFF0];
	v19 =	vmul.f32 v13, v13  }
0xe3: {  	v24 =	vmul.f32 v11, v11;
	v20 =	vld [tilespmem:s3+$0xFFFFFFE0];
	v21 =	vmul.f32 v12, v12  }
0xe4: {  	v15 =	vmul.f32 v17, v15;
	v23 =	vld [tilespmem:s3+$0x20];
	v13 =	vmul.f32 v19, v13  }
0xe5: {  	v11 =	vmul.f32 v24, v11;
	v17 =	vld [tilespmem:s3+$0x0];
	v12 =	vsub.f32 v21, v12  }
0xe6: {  	v14 =	vmul.f32 v14, v14;
	v21 =	vmul.f32 v15, v15;
	v19 =	vld [tilespmem:s20+$0x20];
	v22 =	vpop (erf)  }
0xe7: {  	v26 =	vmul.f32 v11, v11;
	v24 =	vld [tilespmem:s20+$0x0];
	v25 =	vmul.f32 v22, v22;
	v12 =	vadd.f32 v12, v12  }
0xe8: {  	v28 =	vmul.f32 v13, v13;
	v15 =	vsub.f32 v21, v15;
	v27 =	vld [tilespmem:s20+$0xFFFFFFE0]  }
0xe9: {  	v11 =	vsub.f32 v26, v11;
	v21 =	vld [tilespmem:s20+$0x10];
	v22 =	vmul.f32 v25, v22  }
0xea: {  	v13 =	vsub.f32 v28, v13;
	v15 =	vadd.f32 v15, v15;
	v25 =	vld [tilespmem:s19+$0xFFFFFFE0]  }
0xeb: {  	v11 =	vadd.f32 v11, v11;
	v26 =	vld [tilespmem:s20+$0xFFFFFFF0];
	v28 =	vmul.f32 v22, v22  }
0xec: {  	v13 =	vadd.f32 v13, v13;
	v29 =	vld [tilespmem:s19+$0x0]  }
0xed: {  	v11 =	vadd.f32 $1.279918070e-04, v11;
	v30 =	vld [tilespmem:s19+$0x10];
	v22 =	vsub.f32 v28, v22  }
0xee: {  	v16 =	vmul.f32 v16, v16;
	v27 =	vmul.f32 v27, v27;
	v28 =	vld [tilespmem:s19+$0x20]  }
0xef: {  	v20 =	vmul.f32 v20, v20;
	v12 =	vadd.f32 $1.279918070e-04, v12;
	v25 =	vmul.f32 v25, v25;
	[tilespmem:v10+s4+$0x0] =	vst.idx.add.f32.msk $0xffff, v11  }
0xf0: {  	v10 =	vmul.f32 v21, v21;
	v21 =	vadd.f32 v22, v22;
	[tilespmem:v9+s4+$0x0] =	vst.idx.add.f32.msk $0xffff, v11  }
0xf1: {  	v15 =	vadd.f32 $1.279918070e-04, v15;
	v11 =	vmul.f32 v17, v17;
	v9 =	vmul.f32 v29, v29;
	[tilespmem:v8+s4+$0x0] =	vst.idx.add.f32.msk $0xffff, v12  }
0xf2: {  	v22 =	vmul.f32 v24, v24;
	v8 =	vadd.f32 v27, v25;
	v17 =	vld [tilespmem:s8+$0xFFFFFFF0];
	v24 =	vmul.f32 v30, v30  }
0xf3: {  	v19 =	vmul.f32 v19, v19;
	v21 =	vadd.f32 $1.279918070e-04, v21;
	v25 =	vmul.f32 v28, v28;
	[tilespmem:v7+s4+$0x0] =	vst.idx.add.f32.msk $0xffff, v12  }
0xf4: {  	v7 =	vadd.f32 v22, v9;
	v9 =	vadd.f32 v10, v24;
	[tilespmem:v6+s4+$0x0] =	vst.idx.add.f32.msk $0xffff, v15  }
0xf5: {  	v12 =	vadd.f32 $1.279918070e-04, v13;
	v10 =	vmul.f32 v23, v23;
	v6 =	vadd.f32 v19, v25;
	[tilespmem:v5+s4+$0x0] =	vst.idx.add.f32.msk $0xffff, v21  }
0xf6: {  	v5 =	vadd.f32 v11, v7;
	v7 =	vadd.f32 v16, v9;
	[tilespmem:v4+s4+$0x0] =	vst.idx.add.f32.msk $0xffff, v15  }
0xf7: {  	v4 =	vadd.f32 v20, v8;
	v6 =	vadd.f32 v10, v6;
	[tilespmem:v3+s4+$0x0] =	vst.idx.add.f32.msk $0xffff, v12  }
0xf8: {  	(erf) = vrcp.f32 v7;
	[tilespmem:v2+s4+$0x0] =	vst.idx.add.f32.msk $0xffff, v12  }
0xf9: {  	(erf) = vrcp.f32 v6;
	[tilespmem:v1+s4+$0x0] =	vst.idx.add.f32.msk $0xffff, v21;
	v1 =	vmov v17  }
0xfa: {  	v6 =	vmul.f32 v26, v26;
	v2 =	vld [tilespmem:s8+$0xFFFFFFE0];
	(erf) = vrcp.f32 v5  }
0xfb: {  	v3 =	vld [tilespmem:s17+$0xFFFFFFE0];
	(erf) = vrcp.f32 v4  }
0xfc: {  	v7 =	vmul.f32 v18, v18;
	v6 =	vadd.f32 v6, v14;
	v4 =	vld [tilespmem:s8+$0x0]  }
0xfd: {  	v5 =	vld [tilespmem:s17+$0xFFFFFFF0]  }
.Ltmp2:
0xfe: {  	v9 =	vadd.f32 v7, v6;
	v6 =	vld [tilespmem:s17+$0x0];
	(pc) =	sbr.rel @p0 .LBB2_7-.Ltmp2, $4  }
0xff: {  	v7 =	vld [tilespmem:s8+$0x10]  }
0x100: {  	v8 =	vld [tilespmem:s17+$0x10];
	(erf) = vrcp.f32 v9  }
0x101: {  	v9 =	vld [tilespmem:s8+$0x20];
	v12 =	vpop (erf)  }
0x102: {  	s20 =	sadd.s32 $0x50, s20;
	s19 =	sadd.s32 $0x50, s19;
	s8 =	sadd.s32 $0x50, s8;
	v13 =	vmul.f32 v12, v12;
	v10 =	vld [tilespmem:s17+$0x20];
	v11 =	vpop (erf)  }
0x103: {  	v14 =	vmul.f32 v11, v11  }
0x104: {  	v12 =	vmul.f32 v13, v12  }
0x105: {  	v15 =	vpop (erf);
	v11 =	vmul.f32 v14, v11  }
0x106: {  	v52 =	vpop (erf);
	v53 =	vmul.f32 v15, v15;
	v18 =	vmul.f32 v12, v12  }
0x107: {  	v54 =	vmul.f32 v52, v52;
	v17 =	vmul.f32 v11, v11  }
0x108: {  	v14 =	vmul.f32 v53, v15;
	v12 =	vsub.f32 v18, v12  }
0x109: {  	v13 =	vmul.f32 v54, v52;
	v16 =	vpop (erf);
	v11 =	vsub.f32 v17, v11  }
0x10a: {  	v55 =	vmul.f32 v14, v14;
	v19 =	vmul.f32 v16, v16;
	v12 =	vadd.f32 v12, v12  }
0x10b: {  	v57 =	vmul.f32 v13, v13;
	v11 =	vadd.f32 v11, v11  }
0x10c: {  	v14 =	vsub.f32 v55, v14;
	v16 =	vmul.f32 v19, v16;
	v12 =	vadd.f32 $1.279918070e-04, v12  }
0x10d: {  	v58 =	vsub.f32 v57, v13;
	v11 =	vadd.f32 $1.279918070e-04, v11  }
0x10e: {  	v14 =	vadd.f32 v14, v14;
	v56 =	vmul.f32 v16, v16;
	[tilespmem:v8+s4+$0x0] =	vst.idx.add.f32.msk $0xffff, v12  }
0x10f: {  	v61 =	vadd.f32 v58, v58;
	[tilespmem:v10+s4+$0x0] =	vst.idx.add.f32.msk $0xffff, v11  }
0x110: {  	v60 =	vadd.f32 $1.279918070e-04, v14;
	[tilespmem:v7+s4+$0x0] =	vst.idx.add.f32.msk $0xffff, v12;
	v15 =	vsub.f32 v56, v16  }
0x111: {  	s0 =	sadd.s32 $0x1, s0;
	[tilespmem:v9+s4+$0x0] =	vst.idx.add.f32.msk $0xffff, v11  }
0x112: {  	p0 =	sne.s32 s0, $0x32;
	v63 =	vadd.f32 $1.279918070e-04, v61;
	[tilespmem:v6+s4+$0x0] =	vst.idx.add.f32.msk $0xffff, v60;
	v59 =	vadd.f32 v15, v15  }
.Ltmp3:
0x113: {  	[tilespmem:v4+s4+$0x0] =	vst.idx.add.f32.msk $0xffff, v60;
	(pc) =	sbr.rel @p0 .LBB2_4-.Ltmp3, $4  }
0x114: {  	[tilespmem:v3+s4+$0x0] =	vst.idx.add.f32.msk $0xffff, v63;
	v62 =	vadd.f32 $1.279918070e-04, v59  }
0x115: {  	[tilespmem:v2+s4+$0x0] =	vst.idx.add.f32.msk $0xffff, v63  }
0x116: {  	[tilespmem:v5+s4+$0x0] =	vst.idx.add.f32.msk $0xffff, v62  }
0x117: {  	[tilespmem:v1+s4+$0x0] =	vst.idx.add.f32.msk $0xffff, v62  }
0x118: {  	s31 =	sadd.s32 $0x1, s31  }
0x119: {  	p0 =	sne.s32 s31, s16  }
.Ltmp4:
0x11a: {  	_ = 	snop;
	(pc) =	sbr.rel @p0 .LBB2_1-.Ltmp4, $4  }
0x11b: {  	[hbm4b:s15+s4] =	stream.linear.scatter [tilespmem:s4], [sflag:$0x3], $0x18800, $0x38;
	[tilespmem:$0x1D620] =	vst v63  }
0x11c: {  	_ =	swait.ge [sflag:s30], $0x18800  }
0x11d: {  	[sflag:s30] =	ssyncset.done $0x0  }
0x11e: {  	[sflag:s30] =	ssyncadd.s32 $0xFFFE7800  }
0x11f: {  	_ =	sfence.sel $0x180000  }
0x120: {  	[bflag:$0x0] =	sbarrier.arrive $0xFFFF  }
0x121: {  	_ =	strace $0x90000047  }
0x122: {  	s0 =	stileid.u32;
	[bflag:$0x2] =	sbarrier.arrive $0xFFFF  }
0x123: {  	p0 =	sne.s32 s0, $0x0;
	s0 =	rddreg [dreg:$0x3]  }
0x124: {  	s0 =	sadd.s32 @!p0 $0x100000, s0  }
0x125: {  	[sflag:s0] =	ssyncadd.tile.s32 @!p0 $0x1;
	_ =	shalt  }
.Lfunc_end2:
_tile_overlayer_lowered:
.L_overlay_start_2:
0x126: {  	(tag) =	ssettag $0x2  }
0x127: {  	s0 =	rddreg [dreg:$0x0];
	s2 =	stileid.u32  }
0x128: {  	s1 =	rddreg [dreg:$0x1];
	p0 =	sne.s32 s2, $0x0  }
0x129: {  	s3 =	rddreg [dreg:$0x2];
	[bflag:$0x3] =	sbarrier.arrive $0xFFFF;
	s2 =	simm.s32 @!p0 $0x1C03  }
0x12a: {  	[timem:s3], [sflag:s2] =	dma.local @!p0 [hbm:s0], s1  }
0x12b: {  	s0 =	simm.s32 @!p0 $0x3  }
0x12c: {  	_ =	swait.ge @!p0 [sflag:s0], s1  }
0x12d: {  	s1 =	ssub.s32 @!p0 $0x0, s1;
	[sflag:s0] =	ssyncset.done @!p0 $0x0  }
0x12e: {  	[sflag:s0] =	ssyncadd.s32 @!p0 s1  }
0x12f: {  	[bflag:$0x3] =	sbarrier.arrive $0xFFFF  }
0x130: {  	_ =	shalt  }

</sc_bundles>
